<compile_context>
chip_gen: v7x
topology: tpu7x:2x2x1
jax: 0.10.2.dev20260603
libtpu: 0.0.44.dev20260713+nightly
codegen_flags: <defaults>
</compile_context>

<pallas_src>
import jax
import jax.numpy as jnp
from jax import lax
from jax.experimental import pallas as pl
from jax.experimental.pallas import tpu as pltpu
from jax.experimental.pallas import tpu_sc as plsc

_C, _F, _O, _B = 6, 1000, 256, 16384
_NC, _NS, _L = 2, 16, 16
_NW = _NC * _NS
_BPW = _B // _NW
_NBT = _BPW // 128
_JPB = 128 // _L

_TD = 256000


def _pose_body(it_hbm, ir_hbm, ot_hbm, oth_hbm, cam_hbm, frm_hbm, obj_hbm,
               otr_hbm, orot_hbm,
               cam_v, frm_v, obj_v, lin_v, idxt_v, idxr_v,
               ta_v, tb_v, qr_v, th_v, otr_v, oq_v, sem, osem):
    wid = lax.axis_index("s") * _NC + lax.axis_index("c")
    base = wid * _BPW

    s1 = pltpu.async_copy(cam_hbm.at[pl.ds(base, _BPW)], cam_v, sem)
    s2 = pltpu.async_copy(frm_hbm.at[pl.ds(base, _BPW)], frm_v, sem)
    s3 = pltpu.async_copy(obj_hbm.at[pl.ds(base, _BPW)], obj_v, sem)
    s1.wait()
    s2.wait()
    s3.wait()

    for bt in range(_NBT):
        def lin_body(j, sj, bt=bt):
            s = pl.ds(bt * 128 + sj, _L)
            c16 = cam_v[s]
            f16 = frm_v[s]
            o16 = obj_v[s]
            fhi = lax.shift_right_logical(f16, 3)
            flo = lax.bitwise_and(f16, 7)
            ohi = lax.shift_right_logical(o16, 7)
            olo = lax.bitwise_and(o16, 127)
            cf = c16 * _F + f16
            p = c16 * (3 * _TD) + fhi * 2048 + ohi * 1024 + flo * 128 + olo
            q = cf * 1024 + ohi * 512 + olo
            for d in range(3):
                idxt_v[pl.ds(bt * 384 + d * 128 + sj, _L)] = p + d * _TD
            for d in range(4):
                idxr_v[pl.ds(bt * 512 + d * 128 + sj, _L)] = q + d * 128
            lin_v[s] = cf * _O + o16
            return sj + _L
        lax.fori_loop(0, _JPB, lin_body, 0)

    copies = [
        pltpu.async_copy(it_hbm.at[idxt_v], ta_v, sem),
        pltpu.async_copy(ot_hbm.at[idxt_v], tb_v, sem),
        pltpu.async_copy(ir_hbm.at[idxr_v], qr_v, sem),
        pltpu.async_copy(oth_hbm.at[lin_v], th_v, sem),
    ]
    for cp in copies:
        cp.wait()

    zero16 = jnp.zeros((_L,), jnp.float32)

    for bt in range(_NBT):
        def tr_body(j, sj, bt=bt):
            for d in range(3):
                sl = pl.ds(bt * 384 + d * 128 + sj, _L)
                otr_v[pl.ds(bt * 512 + d * 128 + sj, _L)] = ta_v[sl] + tb_v[sl]
            otr_v[pl.ds(bt * 512 + 3 * 128 + sj, _L)] = zero16
            return sj + _L
        lax.fori_loop(0, _JPB, tr_body, 0)

        def rot_body(j, carry, bt=bt):
            sth, s = carry
            th = th_v[pl.ds(sth, _L)]
            h = th * jnp.float32(0.5)
            h2 = h * h
            c = jnp.float32(1.0) + h2 * (
                jnp.float32(-1 / 2) + h2 * (
                    jnp.float32(1 / 24) + h2 * (
                        jnp.float32(-1 / 720) + h2 * jnp.float32(1 / 40320))))
            sn = h * (jnp.float32(1.0) + h2 * (
                jnp.float32(-1 / 6) + h2 * (
                    jnp.float32(1 / 120) + h2 * (
                        jnp.float32(-1 / 5040) + h2 * jnp.float32(1 / 362880)))))
            a0 = qr_v[pl.ds(s, _L)]
            a1 = qr_v[pl.ds(s + 128, _L)]
            a2 = qr_v[pl.ds(s + 2 * 128, _L)]
            a3 = qr_v[pl.ds(s + 3 * 128, _L)]
            oq_v[pl.ds(s, _L)] = a0 * c - a3 * sn
            oq_v[pl.ds(s + 128, _L)] = a1 * c + a2 * sn
            oq_v[pl.ds(s + 2 * 128, _L)] = a2 * c - a1 * sn
            oq_v[pl.ds(s + 3 * 128, _L)] = a3 * c + a0 * sn
            return (sth + _L, s + _L)
        lax.fori_loop(0, _JPB, rot_body, (bt * 128, bt * 512))

    o1 = pltpu.async_copy(otr_v, otr_hbm.at[pl.ds(wid * 2048, 2048)], osem)
    o2 = pltpu.async_copy(oq_v, orot_hbm.at[pl.ds(wid * 2048, 2048)], osem)
    o1.wait()
    o2.wait()


_pose_call = pl.kernel(
    _pose_body,
    mesh=plsc.VectorSubcoreMesh(core_axis_name="c", subcore_axis_name="s"),
    compiler_params=pltpu.CompilerParams(
        use_tc_tiling_on_sc=False, needs_layout_passes=False),
    out_type=(
        jax.ShapeDtypeStruct((_B * 4,), jnp.float32),
        jax.ShapeDtypeStruct((_B * 4,), jnp.float32),
    ),
    scratch_types=[
        pltpu.VMEM((_BPW,), jnp.int32),
        pltpu.VMEM((_BPW,), jnp.int32),
        pltpu.VMEM((_BPW,), jnp.int32),
        pltpu.VMEM((_BPW,), jnp.int32),
        pltpu.VMEM((_BPW * 3,), jnp.int32),
        pltpu.VMEM((_BPW * 4,), jnp.int32),
        pltpu.VMEM((_BPW * 3,), jnp.float32),
        pltpu.VMEM((_BPW * 3,), jnp.float32),
        pltpu.VMEM((_BPW * 4,), jnp.float32),
        pltpu.VMEM((_BPW,), jnp.float32),
        pltpu.VMEM((_BPW * 4,), jnp.float32),
        pltpu.VMEM((_BPW * 4,), jnp.float32),
        pltpu.SemaphoreType.DMA,
        pltpu.SemaphoreType.DMA,
    ],
)


def _trans_view(t):
    v = t.transpose(0, 3, 1, 2).reshape(_C, 3, _F // 8, 8, 2, 128)
    return v.transpose(0, 1, 2, 4, 3, 5).reshape(-1)


def _rots_view(t):
    return t.reshape(_C, _F, 2, 128, 4).transpose(0, 1, 2, 4, 3).reshape(-1)


def _planar_out(flat):
    return flat.reshape(_B // 128, 4, 128).transpose(0, 2, 1).reshape(_B, 4)


@jax.jit
def kernel(input_trans, input_rots, opt_trans, opt_rots, cam, frame_idx, obj_id):
    it = _trans_view(input_trans)
    ot = _trans_view(opt_trans)
    ir = _rots_view(input_rots)
    oth = opt_rots.reshape(-1)
    cam = cam.astype(jnp.int32)
    frm = frame_idx.astype(jnp.int32)
    obj = obj_id.astype(jnp.int32)
    tr, rot = _pose_call(it, ir, ot, oth, cam, frm, obj)
    return _planar_out(tr)[:, :3], _planar_out(rot)

# --- scband reference (transcript-rebuilt; emitter-appended) ---
"""Pipeline reference for scband-actor-pose-47528108098016 (READ-ONLY COPY).

The authoritative reference and input builder live on the scoring server;
editing this copy changes nothing except your own understanding.
"""

import jax, jax.numpy as jnp
import numpy as np

C, F, O, B = 6, 1000, 256, 16384


def quaternion_raw_multiply(a, b):
    aw, ax, ay, az = a[..., 0], a[..., 1], a[..., 2], a[..., 3]
    bw, bx, by, bz = b[..., 0], b[..., 1], b[..., 2], b[..., 3]
    ow = aw * bw - ax * bx - ay * by - az * bz
    ox = aw * bx + ax * bw + ay * bz - az * by
    oy = aw * by - ax * bz + ay * bw + az * bx
    oz = aw * bz + ax * by - ay * bx + az * bw
    return jnp.stack([ow, ox, oy, oz], axis=-1)


def quaternion_raw_multiply_theta(q, theta):
    # opt_rots stores a learnable yaw angle theta; build the delta quaternion
    # [cos(theta/2), 0, 0, sin(theta/2)] and compose with the input quaternion.
    half = theta[..., 0] * 0.5
    zeros = jnp.zeros_like(half)
    dq = jnp.stack([jnp.cos(half), zeros, zeros, jnp.sin(half)], axis=-1)
    return quaternion_raw_multiply(q, dq)


def setup_inputs(seed: int = 0) -> dict:
    key = jax.random.key(seed)
    k1, k2, k3, k4, k5, k6, k7 = jax.random.split(key, 7)
    input_trans = jax.random.normal(k1, (C, F, O, 3), dtype=jnp.float32)
    raw = jax.random.normal(k2, (C, F, O, 4), dtype=jnp.float32)
    input_rots = raw / jnp.linalg.norm(raw, axis=-1, keepdims=True)
    opt_trans = jax.random.normal(k3, (C, F, O, 3), dtype=jnp.float32) * 0.01
    opt_rots = jax.random.normal(k4, (C, F, O, 1), dtype=jnp.float32) * 0.01
    cam = jax.random.randint(k5, (B,), 0, C, dtype=jnp.int32).astype(jnp.int64)
    frame_idx = jax.random.randint(k6, (B,), 0, F, dtype=jnp.int32).astype(jnp.int64)
    obj_id = jax.random.randint(k7, (B,), 0, O, dtype=jnp.int32).astype(jnp.int64)
    return {
        'input_trans': input_trans,
        'input_rots': input_rots,
        'opt_trans': opt_trans,
        'opt_rots': opt_rots,
        'cam': cam,
        'frame_idx': frame_idx,
        'obj_id': obj_id,
    }


def reference(input_trans, input_rots, opt_trans, opt_rots, cam, frame_idx, obj_id):
    # Batched version of get_tracking_translation_ / get_tracking_rotation_
    # with opt_track=True and is_lidar_pose=False (the training hot path).
    # Core op: multi-axis embedding-style gather from the tracklet tables.
    trans = input_trans[cam, frame_idx, obj_id] + opt_trans[cam, frame_idx, obj_id]
    q = input_rots[cam, frame_idx, obj_id]
    theta = opt_rots[cam, frame_idx, obj_id]
    rots = quaternion_raw_multiply_theta(q, theta)
    return trans, rots

if __name__ == "__main__":
    import jax
    _d = setup_inputs()
    print(jax.jit(kernel)(*tuple(_d.values())))

</pallas_src>

<mosaic_0001>
#map = affine_map<(d0, d1) -> (0)>
module attributes {stable_mosaic.version = 14 : i64} {
  func.func @_pose_body(%arg0: i32, %arg1: i32, %arg2: memref<4608000xf32, #tpu.memory_space<hbm>>, %arg3: memref<6144000xf32, #tpu.memory_space<hbm>>, %arg4: memref<4608000xf32, #tpu.memory_space<hbm>>, %arg5: memref<1536000xf32, #tpu.memory_space<hbm>>, %arg6: memref<16384xi32, #tpu.memory_space<hbm>>, %arg7: memref<16384xi32, #tpu.memory_space<hbm>>, %arg8: memref<16384xi32, #tpu.memory_space<hbm>>, %arg9: memref<65536xf32, #tpu.memory_space<hbm>>, %arg10: memref<65536xf32, #tpu.memory_space<hbm>>, %arg11: memref<512xi32, #tpu.memory_space<vmem>>, %arg12: memref<512xi32, #tpu.memory_space<vmem>>, %arg13: memref<512xi32, #tpu.memory_space<vmem>>, %arg14: memref<512xi32, #tpu.memory_space<vmem>>, %arg15: memref<1536xi32, #tpu.memory_space<vmem>>, %arg16: memref<2048xi32, #tpu.memory_space<vmem>>, %arg17: memref<1536xf32, #tpu.memory_space<vmem>>, %arg18: memref<1536xf32, #tpu.memory_space<vmem>>, %arg19: memref<2048xf32, #tpu.memory_space<vmem>>, %arg20: memref<512xf32, #tpu.memory_space<vmem>>, %arg21: memref<2048xf32, #tpu.memory_space<vmem>>, %arg22: memref<2048xf32, #tpu.memory_space<vmem>>, %arg23: memref<!tpu.dma_semaphore, #tpu.memory_space<semaphore_mem>>, %arg24: memref<!tpu.dma_semaphore, #tpu.memory_space<semaphore_mem>>) attributes {dimension_semantics = [#tpu.dimension_semantics<core_parallel>, #tpu.dimension_semantics<subcore_parallel>], iteration_bounds = array<i64: 2, 16>, scalar_prefetch = 0 : i64, scratch_operands = 14 : i64, tpu.core_type = #tpu.core_type<sc_vector_subcore>, window_params = [{transform_indices = #map}, {transform_indices = #map}, {transform_indices = #map}, {transform_indices = #map}, {transform_indices = #map}, {transform_indices = #map}, {transform_indices = #map}, {transform_indices = #map}, {transform_indices = #map}]} {
    %mul3A = arith.constant 2 : i32
    %mul3A_0 = arith.muli %arg1, %mul3A : i32
    %add3A = arith.addi %mul3A_0, %arg0 : i32
    %mul3A_1 = arith.constant 512 : i32
    %mul3A_2 = arith.muli %add3A, %mul3A_1 : i32
    %dma_start3A = tpu.memref_slice %arg6[%mul3A_2] : memref<16384xi32, #tpu.memory_space<hbm>> -> memref<512xi32, #tpu.memory_space<hbm>>
    %dma_start3A_3 = tpu.memref_slice %arg6[%mul3A_2] : memref<16384xi32, #tpu.memory_space<hbm>> -> memref<512xi32, #tpu.memory_space<hbm>>
    tpu.enqueue_dma source(%dma_start3A_3 : memref<512xi32, #tpu.memory_space<hbm>>) target(%arg11 : memref<512xi32, #tpu.memory_space<vmem>>) target_semaphore(%arg23 : memref<!tpu.dma_semaphore, #tpu.memory_space<semaphore_mem>>)
    %dma_start3A_4 = tpu.memref_slice %arg7[%mul3A_2] : memref<16384xi32, #tpu.memory_space<hbm>> -> memref<512xi32, #tpu.memory_space<hbm>>
    %dma_start3A_5 = tpu.memref_slice %arg7[%mul3A_2] : memref<16384xi32, #tpu.memory_space<hbm>> -> memref<512xi32, #tpu.memory_space<hbm>>
    tpu.enqueue_dma source(%dma_start3A_5 : memref<512xi32, #tpu.memory_space<hbm>>) target(%arg12 : memref<512xi32, #tpu.memory_space<vmem>>) target_semaphore(%arg23 : memref<!tpu.dma_semaphore, #tpu.memory_space<semaphore_mem>>)
    %dma_start3A_6 = tpu.memref_slice %arg8[%mul3A_2] : memref<16384xi32, #tpu.memory_space<hbm>> -> memref<512xi32, #tpu.memory_space<hbm>>
    %dma_start3A_7 = tpu.memref_slice %arg8[%mul3A_2] : memref<16384xi32, #tpu.memory_space<hbm>> -> memref<512xi32, #tpu.memory_space<hbm>>
    tpu.enqueue_dma source(%dma_start3A_7 : memref<512xi32, #tpu.memory_space<hbm>>) target(%arg13 : memref<512xi32, #tpu.memory_space<vmem>>) target_semaphore(%arg23 : memref<!tpu.dma_semaphore, #tpu.memory_space<semaphore_mem>>)
    %dma_wait3A = tpu.memref_slice %arg6[%mul3A_2] : memref<16384xi32, #tpu.memory_space<hbm>> -> memref<512xi32, #tpu.memory_space<hbm>>
    %dma_wait3A_8 = tpu.memref_slice %arg6[%mul3A_2] : memref<16384xi32, #tpu.memory_space<hbm>> -> memref<512xi32, #tpu.memory_space<hbm>>
    tpu.wait_dma2 semaphore(%arg23 : memref<!tpu.dma_semaphore, #tpu.memory_space<semaphore_mem>>) src(%dma_wait3A_8 : memref<512xi32, #tpu.memory_space<hbm>>) dst(%arg11 : memref<512xi32, #tpu.memory_space<vmem>>)
    %dma_wait3A_9 = tpu.memref_slice %arg7[%mul3A_2] : memref<16384xi32, #tpu.memory_space<hbm>> -> memref<512xi32, #tpu.memory_space<hbm>>
    %dma_wait3A_10 = tpu.memref_slice %arg7[%mul3A_2] : memref<16384xi32, #tpu.memory_space<hbm>> -> memref<512xi32, #tpu.memory_space<hbm>>
    tpu.wait_dma2 semaphore(%arg23 : memref<!tpu.dma_semaphore, #tpu.memory_space<semaphore_mem>>) src(%dma_wait3A_10 : memref<512xi32, #tpu.memory_space<hbm>>) dst(%arg12 : memref<512xi32, #tpu.memory_space<vmem>>)
    %dma_wait3A_11 = tpu.memref_slice %arg8[%mul3A_2] : memref<16384xi32, #tpu.memory_space<hbm>> -> memref<512xi32, #tpu.memory_space<hbm>>
    %dma_wait3A_12 = tpu.memref_slice %arg8[%mul3A_2] : memref<16384xi32, #tpu.memory_space<hbm>> -> memref<512xi32, #tpu.memory_space<hbm>>
    tpu.wait_dma2 semaphore(%arg23 : memref<!tpu.dma_semaphore, #tpu.memory_space<semaphore_mem>>) src(%dma_wait3A_12 : memref<512xi32, #tpu.memory_space<hbm>>) dst(%arg13 : memref<512xi32, #tpu.memory_space<vmem>>)
    %scan3A = arith.constant 0 : i32
    %scan3A_13 = arith.constant 0 : i32
    %scan3A_14 = arith.constant 8 : i32
    %scan3A_15 = arith.addi %scan3A_13, %scan3A_14 : i32
    %scan3A_16 = arith.constant 1 : i32
    %scan3A_17 = scf.for %scan3A_129 = %scan3A_13 to %scan3A_15 step %scan3A_16 iter_args(%scan3A_130 = %scan3A) -> (i32)  : i32 {
      %add3A_131 = arith.constant 0 : i32
      %add3A_132 = arith.addi %add3A_131, %scan3A_130 : i32
      %get3A = arith.index_cast %add3A_132 : i32 to index
      %get3A_133 = tpu.vector_load %arg11[%get3A] {strides = array<i32>} : memref<512xi32, #tpu.memory_space<vmem>>, vector<16xi32>,
      %get3A_134 = arith.index_cast %add3A_132 : i32 to index
      %get3A_135 = tpu.vector_load %arg12[%get3A_134] {strides = array<i32>} : memref<512xi32, #tpu.memory_space<vmem>>, vector<16xi32>,
      %get3A_136 = arith.index_cast %add3A_132 : i32 to index
      %get3A_137 = tpu.vector_load %arg13[%get3A_136] {strides = array<i32>} : memref<512xi32, #tpu.memory_space<vmem>>, vector<16xi32>,
      %shift_right_logical3A = arith.constant 3 : i32
      %shift_right_logical3A_138 = vector.broadcast %shift_right_logical3A : i32 to vector<16xi32>
      %shift_right_logical3A_139 = arith.shrui %get3A_135, %shift_right_logical3A_138 : vector<16xi32>
      %and3A = arith.constant 7 : i32
      %and3A_140 = vector.broadcast %and3A : i32 to vector<16xi32>
      %and3A_141 = arith.andi %get3A_135, %and3A_140 : vector<16xi32>
      %shift_right_logical3A_142 = arith.constant 7 : i32
      %shift_right_logical3A_143 = vector.broadcast %shift_right_logical3A_142 : i32 to vector<16xi32>
      %shift_right_logical3A_144 = arith.shrui %get3A_137, %shift_right_logical3A_143 : vector<16xi32>
      %and3A_145 = arith.constant 127 : i32
      %and3A_146 = vector.broadcast %and3A_145 : i32 to vector<16xi32>
      %and3A_147 = arith.andi %get3A_137, %and3A_146 : vector<16xi32>
      %mul3A_148 = arith.constant 1000 : i32
      %mul3A_149 = vector.broadcast %mul3A_148 : i32 to vector<16xi32>
      %mul3A_150 = arith.muli %get3A_133, %mul3A_149 : vector<16xi32>
      %add3A_151 = arith.addi %mul3A_150, %get3A_135 : vector<16xi32>
      %mul3A_152 = arith.constant 768000 : i32
      %mul3A_153 = vector.broadcast %mul3A_152 : i32 to vector<16xi32>
      %mul3A_154 = arith.muli %get3A_133, %mul3A_153 : vector<16xi32>
      %mul3A_155 = arith.constant 2048 : i32
      %mul3A_156 = vector.broadcast %mul3A_155 : i32 to vector<16xi32>
      %mul3A_157 = arith.muli %shift_right_logical3A_139, %mul3A_156 : vector<16xi32>
      %add3A_158 = arith.addi %mul3A_154, %mul3A_157 : vector<16xi32>
      %mul3A_159 = arith.constant 1024 : i32
      %mul3A_160 = vector.broadcast %mul3A_159 : i32 to vector<16xi32>
      %mul3A_161 = arith.muli %shift_right_logical3A_144, %mul3A_160 : vector<16xi32>
      %add3A_162 = arith.addi %add3A_158, %mul3A_161 : vector<16xi32>
      %mul3A_163 = arith.constant 128 : i32
      %mul3A_164 = vector.broadcast %mul3A_163 : i32 to vector<16xi32>
      %mul3A_165 = arith.muli %and3A_141, %mul3A_164 : vector<16xi32>
      %add3A_166 = arith.addi %add3A_162, %mul3A_165 : vector<16xi32>
      %add3A_167 = arith.addi %add3A_166, %and3A_147 : vector<16xi32>
      %mul3A_168 = arith.constant 1024 : i32
      %mul3A_169 = vector.broadcast %mul3A_168 : i32 to vector<16xi32>
      %mul3A_170 = arith.muli %add3A_151, %mul3A_169 : vector<16xi32>
      %mul3A_171 = arith.constant 512 : i32
      %mul3A_172 = vector.broadcast %mul3A_171 : i32 to vector<16xi32>
      %mul3A_173 = arith.muli %shift_right_logical3A_144, %mul3A_172 : vector<16xi32>
      %add3A_174 = arith.addi %mul3A_170, %mul3A_173 : vector<16xi32>
      %add3A_175 = arith.addi %add3A_174, %and3A_147 : vector<16xi32>
      %add3A_176 = arith.constant 0 : i32
      %add3A_177 = vector.broadcast %add3A_176 : i32 to vector<16xi32>
      %add3A_178 = arith.addi %add3A_167, %add3A_177 : vector<16xi32>
      %add3A_179 = arith.constant 0 : i32
      %add3A_180 = arith.addi %add3A_179, %scan3A_130 : i32
      %swap3A = arith.index_cast %add3A_180 : i32 to index
      %swap3A_181 = tpu.vector_load %arg15[%swap3A] {strides = array<i32>} : memref<1536xi32, #tpu.memory_space<vmem>>, vector<16xi32>,
      tpu.vector_store %arg15[%swap3A], %add3A_178 {strides = array<i32>} : memref<1536xi32, #tpu.memory_space<vmem>>, vector<16xi32>,
      %add3A_182 = arith.constant 256000 : i32
      %add3A_183 = vector.broadcast %add3A_182 : i32 to vector<16xi32>
      %add3A_184 = arith.addi %add3A_167, %add3A_183 : vector<16xi32>
      %add3A_185 = arith.constant 128 : i32
      %add3A_186 = arith.addi %add3A_185, %scan3A_130 : i32
      %swap3A_187 = arith.index_cast %add3A_186 : i32 to index
      %swap3A_188 = tpu.vector_load %arg15[%swap3A_187] {strides = array<i32>} : memref<1536xi32, #tpu.memory_space<vmem>>, vector<16xi32>,
      tpu.vector_store %arg15[%swap3A_187], %add3A_184 {strides = array<i32>} : memref<1536xi32, #tpu.memory_space<vmem>>, vector<16xi32>,
      %add3A_189 = arith.constant 512000 : i32
      %add3A_190 = vector.broadcast %add3A_189 : i32 to vector<16xi32>
      %add3A_191 = arith.addi %add3A_167, %add3A_190 : vector<16xi32>
      %add3A_192 = arith.constant 256 : i32
      %add3A_193 = arith.addi %add3A_192, %scan3A_130 : i32
      %swap3A_194 = arith.index_cast %add3A_193 : i32 to index
      %swap3A_195 = tpu.vector_load %arg15[%swap3A_194] {strides = array<i32>} : memref<1536xi32, #tpu.memory_space<vmem>>, vector<16xi32>,
      tpu.vector_store %arg15[%swap3A_194], %add3A_191 {strides = array<i32>} : memref<1536xi32, #tpu.memory_space<vmem>>, vector<16xi32>,
      %add3A_196 = arith.constant 0 : i32
      %add3A_197 = vector.broadcast %add3A_196 : i32 to vector<16xi32>
      %add3A_198 = arith.addi %add3A_175, %add3A_197 : vector<16xi32>
      %add3A_199 = arith.constant 0 : i32
      %add3A_200 = arith.addi %add3A_199, %scan3A_130 : i32
      %swap3A_201 = arith.index_cast %add3A_200 : i32 to index
      %swap3A_202 = tpu.vector_load %arg16[%swap3A_201] {strides = array<i32>} : memref<2048xi32, #tpu.memory_space<vmem>>, vector<16xi32>,
      tpu.vector_store %arg16[%swap3A_201], %add3A_198 {strides = array<i32>} : memref<2048xi32, #tpu.memory_space<vmem>>, vector<16xi32>,
      %add3A_203 = arith.constant 128 : i32
      %add3A_204 = vector.broadcast %add3A_203 : i32 to vector<16xi32>
      %add3A_205 = arith.addi %add3A_175, %add3A_204 : vector<16xi32>
      %add3A_206 = arith.constant 128 : i32
      %add3A_207 = arith.addi %add3A_206, %scan3A_130 : i32
      %swap3A_208 = arith.index_cast %add3A_207 : i32 to index
      %swap3A_209 = tpu.vector_load %arg16[%swap3A_208] {strides = array<i32>} : memref<2048xi32, #tpu.memory_space<vmem>>, vector<16xi32>,
      tpu.vector_store %arg16[%swap3A_208], %add3A_205 {strides = array<i32>} : memref<2048xi32, #tpu.memory_space<vmem>>, vector<16xi32>,
      %add3A_210 = arith.constant 256 : i32
      %add3A_211 = vector.broadcast %add3A_210 : i32 to vector<16xi32>
      %add3A_212 = arith.addi %add3A_175, %add3A_211 : vector<16xi32>
      %add3A_213 = arith.constant 256 : i32
      %add3A_214 = arith.addi %add3A_213, %scan3A_130 : i32
      %swap3A_215 = arith.index_cast %add3A_214 : i32 to index
      %swap3A_216 = tpu.vector_load %arg16[%swap3A_215] {strides = array<i32>} : memref<2048xi32, #tpu.memory_space<vmem>>, vector<16xi32>,
      tpu.vector_store %arg16[%swap3A_215], %add3A_212 {strides = array<i32>} : memref<2048xi32, #tpu.memory_space<vmem>>, vector<16xi32>,
      %add3A_217 = arith.constant 384 : i32
      %add3A_218 = vector.broadcast %add3A_217 : i32 to vector<16xi32>
      %add3A_219 = arith.addi %add3A_175, %add3A_218 : vector<16xi32>
      %add3A_220 = arith.constant 384 : i32
      %add3A_221 = arith.addi %add3A_220, %scan3A_130 : i32
      %swap3A_222 = arith.index_cast %add3A_221 : i32 to index
      %swap3A_223 = tpu.vector_load %arg16[%swap3A_222] {strides = array<i32>} : memref<2048xi32, #tpu.memory_space<vmem>>, vector<16xi32>,
      tpu.vector_store %arg16[%swap3A_222], %add3A_219 {strides = array<i32>} : memref<2048xi32, #tpu.memory_space<vmem>>, vector<16xi32>,
      %mul3A_224 = arith.constant 256 : i32
      %mul3A_225 = vector.broadcast %mul3A_224 : i32 to vector<16xi32>
      %mul3A_226 = arith.muli %add3A_151, %mul3A_225 : vector<16xi32>
      %add3A_227 = arith.addi %mul3A_226, %get3A_137 : vector<16xi32>
      %swap3A_228 = arith.index_cast %add3A_132 : i32 to index
      %swap3A_229 = tpu.vector_load %arg14[%swap3A_228] {strides = array<i32>} : memref<512xi32, #tpu.memory_space<vmem>>, vector<16xi32>,
      tpu.vector_store %arg14[%swap3A_228], %add3A_227 {strides = array<i32>} : memref<512xi32, #tpu.memory_space<vmem>>, vector<16xi32>,
      %add3A_230 = arith.constant 16 : i32
      %add3A_231 = arith.addi %scan3A_130, %add3A_230 : i32
      scf.yield %add3A_231 : i32
    }
    %scan3A_18 = arith.constant 8 : i32
    %scan3A_19 = arith.constant 0 : i32
    %scan3A_20 = arith.constant 0 : i32
    %scan3A_21 = arith.constant 8 : i32
    %scan3A_22 = arith.addi %scan3A_20, %scan3A_21 : i32
    %scan3A_23 = arith.constant 1 : i32
    %scan3A_24 = scf.for %scan3A_129 = %scan3A_20 to %scan3A_22 step %scan3A_23 iter_args(%scan3A_130 = %scan3A_19) -> (i32)  : i32 {
      %add3A_131 = arith.constant 128 : i32
      %add3A_132 = arith.addi %add3A_131, %scan3A_130 : i32
      %get3A = arith.index_cast %add3A_132 : i32 to index
      %get3A_133 = tpu.vector_load %arg11[%get3A] {strides = array<i32>} : memref<512xi32, #tpu.memory_space<vmem>>, vector<16xi32>,
      %get3A_134 = arith.index_cast %add3A_132 : i32 to index
      %get3A_135 = tpu.vector_load %arg12[%get3A_134] {strides = array<i32>} : memref<512xi32, #tpu.memory_space<vmem>>, vector<16xi32>,
      %get3A_136 = arith.index_cast %add3A_132 : i32 to index
      %get3A_137 = tpu.vector_load %arg13[%get3A_136] {strides = array<i32>} : memref<512xi32, #tpu.memory_space<vmem>>, vector<16xi32>,
      %shift_right_logical3A = arith.constant 3 : i32
      %shift_right_logical3A_138 = vector.broadcast %shift_right_logical3A : i32 to vector<16xi32>
      %shift_right_logical3A_139 = arith.shrui %get3A_135, %shift_right_logical3A_138 : vector<16xi32>
      %and3A = arith.constant 7 : i32
      %and3A_140 = vector.broadcast %and3A : i32 to vector<16xi32>
      %and3A_141 = arith.andi %get3A_135, %and3A_140 : vector<16xi32>
      %shift_right_logical3A_142 = arith.constant 7 : i32
      %shift_right_logical3A_143 = vector.broadcast %shift_right_logical3A_142 : i32 to vector<16xi32>
      %shift_right_logical3A_144 = arith.shrui %get3A_137, %shift_right_logical3A_143 : vector<16xi32>
      %and3A_145 = arith.constant 127 : i32
      %and3A_146 = vector.broadcast %and3A_145 : i32 to vector<16xi32>
      %and3A_147 = arith.andi %get3A_137, %and3A_146 : vector<16xi32>
      %mul3A_148 = arith.constant 1000 : i32
      %mul3A_149 = vector.broadcast %mul3A_148 : i32 to vector<16xi32>
      %mul3A_150 = arith.muli %get3A_133, %mul3A_149 : vector<16xi32>
      %add3A_151 = arith.addi %mul3A_150, %get3A_135 : vector<16xi32>
      %mul3A_152 = arith.constant 768000 : i32
      %mul3A_153 = vector.broadcast %mul3A_152 : i32 to vector<16xi32>
      %mul3A_154 = arith.muli %get3A_133, %mul3A_153 : vector<16xi32>
      %mul3A_155 = arith.constant 2048 : i32
      %mul3A_156 = vector.broadcast %mul3A_155 : i32 to vector<16xi32>
      %mul3A_157 = arith.muli %shift_right_logical3A_139, %mul3A_156 : vector<16xi32>
      %add3A_158 = arith.addi %mul3A_154, %mul3A_157 : vector<16xi32>
      %mul3A_159 = arith.constant 1024 : i32
      %mul3A_160 = vector.broadcast %mul3A_159 : i32 to vector<16xi32>
      %mul3A_161 = arith.muli %shift_right_logical3A_144, %mul3A_160 : vector<16xi32>
      %add3A_162 = arith.addi %add3A_158, %mul3A_161 : vector<16xi32>
      %mul3A_163 = arith.constant 128 : i32
      %mul3A_164 = vector.broadcast %mul3A_163 : i32 to vector<16xi32>
      %mul3A_165 = arith.muli %and3A_141, %mul3A_164 : vector<16xi32>
      %add3A_166 = arith.addi %add3A_162, %mul3A_165 : vector<16xi32>
      %add3A_167 = arith.addi %add3A_166, %and3A_147 : vector<16xi32>
      %mul3A_168 = arith.constant 1024 : i32
      %mul3A_169 = vector.broadcast %mul3A_168 : i32 to vector<16xi32>
      %mul3A_170 = arith.muli %add3A_151, %mul3A_169 : vector<16xi32>
      %mul3A_171 = arith.constant 512 : i32
      %mul3A_172 = vector.broadcast %mul3A_171 : i32 to vector<16xi32>
      %mul3A_173 = arith.muli %shift_right_logical3A_144, %mul3A_172 : vector<16xi32>
      %add3A_174 = arith.addi %mul3A_170, %mul3A_173 : vector<16xi32>
      %add3A_175 = arith.addi %add3A_174, %and3A_147 : vector<16xi32>
      %add3A_176 = arith.constant 0 : i32
      %add3A_177 = vector.broadcast %add3A_176 : i32 to vector<16xi32>
      %add3A_178 = arith.addi %add3A_167, %add3A_177 : vector<16xi32>
      %add3A_179 = arith.constant 384 : i32
      %add3A_180 = arith.addi %add3A_179, %scan3A_130 : i32
      %swap3A = arith.index_cast %add3A_180 : i32 to index
      %swap3A_181 = tpu.vector_load %arg15[%swap3A] {strides = array<i32>} : memref<1536xi32, #tpu.memory_space<vmem>>, vector<16xi32>,
      tpu.vector_store %arg15[%swap3A], %add3A_178 {strides = array<i32>} : memref<1536xi32, #tpu.memory_space<vmem>>, vector<16xi32>,
      %add3A_182 = arith.constant 256000 : i32
      %add3A_183 = vector.broadcast %add3A_182 : i32 to vector<16xi32>
      %add3A_184 = arith.addi %add3A_167, %add3A_183 : vector<16xi32>
      %add3A_185 = arith.constant 512 : i32
      %add3A_186 = arith.addi %add3A_185, %scan3A_130 : i32
      %swap3A_187 = arith.index_cast %add3A_186 : i32 to index
      %swap3A_188 = tpu.vector_load %arg15[%swap3A_187] {strides = array<i32>} : memref<1536xi32, #tpu.memory_space<vmem>>, vector<16xi32>,
      tpu.vector_store %arg15[%swap3A_187], %add3A_184 {strides = array<i32>} : memref<1536xi32, #tpu.memory_space<vmem>>, vector<16xi32>,
      %add3A_189 = arith.constant 512000 : i32
      %add3A_190 = vector.broadcast %add3A_189 : i32 to vector<16xi32>
      %add3A_191 = arith.addi %add3A_167, %add3A_190 : vector<16xi32>
      %add3A_192 = arith.constant 640 : i32
      %add3A_193 = arith.addi %add3A_192, %scan3A_130 : i32
      %swap3A_194 = arith.index_cast %add3A_193 : i32 to index
      %swap3A_195 = tpu.vector_load %arg15[%swap3A_194] {strides = array<i32>} : memref<1536xi32, #tpu.memory_space<vmem>>, vector<16xi32>,
      tpu.vector_store %arg15[%swap3A_194], %add3A_191 {strides = array<i32>} : memref<1536xi32, #tpu.memory_space<vmem>>, vector<16xi32>,
      %add3A_196 = arith.constant 0 : i32
      %add3A_197 = vector.broadcast %add3A_196 : i32 to vector<16xi32>
      %add3A_198 = arith.addi %add3A_175, %add3A_197 : vector<16xi32>
      %add3A_199 = arith.constant 512 : i32
      %add3A_200 = arith.addi %add3A_199, %scan3A_130 : i32
      %swap3A_201 = arith.index_cast %add3A_200 : i32 to index
      %swap3A_202 = tpu.vector_load %arg16[%swap3A_201] {strides = array<i32>} : memref<2048xi32, #tpu.memory_space<vmem>>, vector<16xi32>,
      tpu.vector_store %arg16[%swap3A_201], %add3A_198 {strides = array<i32>} : memref<2048xi32, #tpu.memory_space<vmem>>, vector<16xi32>,
      %add3A_203 = arith.constant 128 : i32
      %add3A_204 = vector.broadcast %add3A_203 : i32 to vector<16xi32>
      %add3A_205 = arith.addi %add3A_175, %add3A_204 : vector<16xi32>
      %add3A_206 = arith.constant 640 : i32
      %add3A_207 = arith.addi %add3A_206, %scan3A_130 : i32
      %swap3A_208 = arith.index_cast %add3A_207 : i32 to index
      %swap3A_209 = tpu.vector_load %arg16[%swap3A_208] {strides = array<i32>} : memref<2048xi32, #tpu.memory_space<vmem>>, vector<16xi32>,
      tpu.vector_store %arg16[%swap3A_208], %add3A_205 {strides = array<i32>} : memref<2048xi32, #tpu.memory_space<vmem>>, vector<16xi32>,
      %add3A_210 = arith.constant 256 : i32
      %add3A_211 = vector.broadcast %add3A_210 : i32 to vector<16xi32>
      %add3A_212 = arith.addi %add3A_175, %add3A_211 : vector<16xi32>
      %add3A_213 = arith.constant 768 : i32
      %add3A_214 = arith.addi %add3A_213, %scan3A_130 : i32
      %swap3A_215 = arith.index_cast %add3A_214 : i32 to index
      %swap3A_216 = tpu.vector_load %arg16[%swap3A_215] {strides = array<i32>} : memref<2048xi32, #tpu.memory_space<vmem>>, vector<16xi32>,
      tpu.vector_store %arg16[%swap3A_215], %add3A_212 {strides = array<i32>} : memref<2048xi32, #tpu.memory_space<vmem>>, vector<16xi32>,
      %add3A_217 = arith.constant 384 : i32
      %add3A_218 = vector.broadcast %add3A_217 : i32 to vector<16xi32>
      %add3A_219 = arith.addi %add3A_175, %add3A_218 : vector<16xi32>
      %add3A_220 = arith.constant 896 : i32
      %add3A_221 = arith.addi %add3A_220, %scan3A_130 : i32
      %swap3A_222 = arith.index_cast %add3A_221 : i32 to index
      %swap3A_223 = tpu.vector_load %arg16[%swap3A_222] {strides = array<i32>} : memref<2048xi32, #tpu.memory_space<vmem>>, vector<16xi32>,
      tpu.vector_store %arg16[%swap3A_222], %add3A_219 {strides = array<i32>} : memref<2048xi32, #tpu.memory_space<vmem>>, vector<16xi32>,
      %mul3A_224 = arith.constant 256 : i32
      %mul3A_225 = vector.broadcast %mul3A_224 : i32 to vector<16xi32>
      %mul3A_226 = arith.muli %add3A_151, %mul3A_225 : vector<16xi32>
      %add3A_227 = arith.addi %mul3A_226, %get3A_137 : vector<16xi32>
      %swap3A_228 = arith.index_cast %add3A_132 : i32 to index
      %swap3A_229 = tpu.vector_load %arg14[%swap3A_228] {strides = array<i32>} : memref<512xi32, #tpu.memory_space<vmem>>, vector<16xi32>,
      tpu.vector_store %arg14[%swap3A_228], %add3A_227 {strides = array<i32>} : memref<512xi32, #tpu.memory_space<vmem>>, vector<16xi32>,
      %add3A_230 = arith.constant 16 : i32
      %add3A_231 = arith.addi %scan3A_130, %add3A_230 : i32
      scf.yield %add3A_231 : i32
    }
    %scan3A_25 = arith.constant 8 : i32
    %scan3A_26 = arith.constant 0 : i32
    %scan3A_27 = arith.constant 0 : i32
    %scan3A_28 = arith.constant 8 : i32
    %scan3A_29 = arith.addi %scan3A_27, %scan3A_28 : i32
    %scan3A_30 = arith.constant 1 : i32
    %scan3A_31 = scf.for %scan3A_129 = %scan3A_27 to %scan3A_29 step %scan3A_30 iter_args(%scan3A_130 = %scan3A_26) -> (i32)  : i32 {
      %add3A_131 = arith.constant 256 : i32
      %add3A_132 = arith.addi %add3A_131, %scan3A_130 : i32
      %get3A = arith.index_cast %add3A_132 : i32 to index
      %get3A_133 = tpu.vector_load %arg11[%get3A] {strides = array<i32>} : memref<512xi32, #tpu.memory_space<vmem>>, vector<16xi32>,
      %get3A_134 = arith.index_cast %add3A_132 : i32 to index
      %get3A_135 = tpu.vector_load %arg12[%get3A_134] {strides = array<i32>} : memref<512xi32, #tpu.memory_space<vmem>>, vector<16xi32>,
      %get3A_136 = arith.index_cast %add3A_132 : i32 to index
      %get3A_137 = tpu.vector_load %arg13[%get3A_136] {strides = array<i32>} : memref<512xi32, #tpu.memory_space<vmem>>, vector<16xi32>,
      %shift_right_logical3A = arith.constant 3 : i32
      %shift_right_logical3A_138 = vector.broadcast %shift_right_logical3A : i32 to vector<16xi32>
      %shift_right_logical3A_139 = arith.shrui %get3A_135, %shift_right_logical3A_138 : vector<16xi32>
      %and3A = arith.constant 7 : i32
      %and3A_140 = vector.broadcast %and3A : i32 to vector<16xi32>
      %and3A_141 = arith.andi %get3A_135, %and3A_140 : vector<16xi32>
      %shift_right_logical3A_142 = arith.constant 7 : i32
      %shift_right_logical3A_143 = vector.broadcast %shift_right_logical3A_142 : i32 to vector<16xi32>
      %shift_right_logical3A_144 = arith.shrui %get3A_137, %shift_right_logical3A_143 : vector<16xi32>
      %and3A_145 = arith.constant 127 : i32
      %and3A_146 = vector.broadcast %and3A_145 : i32 to vector<16xi32>
      %and3A_147 = arith.andi %get3A_137, %and3A_146 : vector<16xi32>
      %mul3A_148 = arith.constant 1000 : i32
      %mul3A_149 = vector.broadcast %mul3A_148 : i32 to vector<16xi32>
      %mul3A_150 = arith.muli %get3A_133, %mul3A_149 : vector<16xi32>
      %add3A_151 = arith.addi %mul3A_150, %get3A_135 : vector<16xi32>
      %mul3A_152 = arith.constant 768000 : i32
      %mul3A_153 = vector.broadcast %mul3A_152 : i32 to vector<16xi32>
      %mul3A_154 = arith.muli %get3A_133, %mul3A_153 : vector<16xi32>
      %mul3A_155 = arith.constant 2048 : i32
      %mul3A_156 = vector.broadcast %mul3A_155 : i32 to vector<16xi32>
      %mul3A_157 = arith.muli %shift_right_logical3A_139, %mul3A_156 : vector<16xi32>
      %add3A_158 = arith.addi %mul3A_154, %mul3A_157 : vector<16xi32>
      %mul3A_159 = arith.constant 1024 : i32
      %mul3A_160 = vector.broadcast %mul3A_159 : i32 to vector<16xi32>
      %mul3A_161 = arith.muli %shift_right_logical3A_144, %mul3A_160 : vector<16xi32>
      %add3A_162 = arith.addi %add3A_158, %mul3A_161 : vector<16xi32>
      %mul3A_163 = arith.constant 128 : i32
      %mul3A_164 = vector.broadcast %mul3A_163 : i32 to vector<16xi32>
      %mul3A_165 = arith.muli %and3A_141, %mul3A_164 : vector<16xi32>
      %add3A_166 = arith.addi %add3A_162, %mul3A_165 : vector<16xi32>
      %add3A_167 = arith.addi %add3A_166, %and3A_147 : vector<16xi32>
      %mul3A_168 = arith.constant 1024 : i32
      %mul3A_169 = vector.broadcast %mul3A_168 : i32 to vector<16xi32>
      %mul3A_170 = arith.muli %add3A_151, %mul3A_169 : vector<16xi32>
      %mul3A_171 = arith.constant 512 : i32
      %mul3A_172 = vector.broadcast %mul3A_171 : i32 to vector<16xi32>
      %mul3A_173 = arith.muli %shift_right_logical3A_144, %mul3A_172 : vector<16xi32>
      %add3A_174 = arith.addi %mul3A_170, %mul3A_173 : vector<16xi32>
      %add3A_175 = arith.addi %add3A_174, %and3A_147 : vector<16xi32>
      %add3A_176 = arith.constant 0 : i32
      %add3A_177 = vector.broadcast %add3A_176 : i32 to vector<16xi32>
      %add3A_178 = arith.addi %add3A_167, %add3A_177 : vector<16xi32>
      %add3A_179 = arith.constant 768 : i32
      %add3A_180 = arith.addi %add3A_179, %scan3A_130 : i32
      %swap3A = arith.index_cast %add3A_180 : i32 to index
      %swap3A_181 = tpu.vector_load %arg15[%swap3A] {strides = array<i32>} : memref<1536xi32, #tpu.memory_space<vmem>>, vector<16xi32>,
      tpu.vector_store %arg15[%swap3A], %add3A_178 {strides = array<i32>} : memref<1536xi32, #tpu.memory_space<vmem>>, vector<16xi32>,
      %add3A_182 = arith.constant 256000 : i32
      %add3A_183 = vector.broadcast %add3A_182 : i32 to vector<16xi32>
      %add3A_184 = arith.addi %add3A_167, %add3A_183 : vector<16xi32>
      %add3A_185 = arith.constant 896 : i32
      %add3A_186 = arith.addi %add3A_185, %scan3A_130 : i32
      %swap3A_187 = arith.index_cast %add3A_186 : i32 to index
      %swap3A_188 = tpu.vector_load %arg15[%swap3A_187] {strides = array<i32>} : memref<1536xi32, #tpu.memory_space<vmem>>, vector<16xi32>,
      tpu.vector_store %arg15[%swap3A_187], %add3A_184 {strides = array<i32>} : memref<1536xi32, #tpu.memory_space<vmem>>, vector<16xi32>,
      %add3A_189 = arith.constant 512000 : i32
      %add3A_190 = vector.broadcast %add3A_189 : i32 to vector<16xi32>
      %add3A_191 = arith.addi %add3A_167, %add3A_190 : vector<16xi32>
      %add3A_192 = arith.constant 1024 : i32
      %add3A_193 = arith.addi %add3A_192, %scan3A_130 : i32
      %swap3A_194 = arith.index_cast %add3A_193 : i32 to index
      %swap3A_195 = tpu.vector_load %arg15[%swap3A_194] {strides = array<i32>} : memref<1536xi32, #tpu.memory_space<vmem>>, vector<16xi32>,
      tpu.vector_store %arg15[%swap3A_194], %add3A_191 {strides = array<i32>} : memref<1536xi32, #tpu.memory_space<vmem>>, vector<16xi32>,
      %add3A_196 = arith.constant 0 : i32
      %add3A_197 = vector.broadcast %add3A_196 : i32 to vector<16xi32>
      %add3A_198 = arith.addi %add3A_175, %add3A_197 : vector<16xi32>
      %add3A_199 = arith.constant 1024 : i32
      %add3A_200 = arith.addi %add3A_199, %scan3A_130 : i32
      %swap3A_201 = arith.index_cast %add3A_200 : i32 to index
      %swap3A_202 = tpu.vector_load %arg16[%swap3A_201] {strides = array<i32>} : memref<2048xi32, #tpu.memory_space<vmem>>, vector<16xi32>,
      tpu.vector_store %arg16[%swap3A_201], %add3A_198 {strides = array<i32>} : memref<2048xi32, #tpu.memory_space<vmem>>, vector<16xi32>,
      %add3A_203 = arith.constant 128 : i32
      %add3A_204 = vector.broadcast %add3A_203 : i32 to vector<16xi32>
      %add3A_205 = arith.addi %add3A_175, %add3A_204 : vector<16xi32>
      %add3A_206 = arith.constant 1152 : i32
      %add3A_207 = arith.addi %add3A_206, %scan3A_130 : i32
      %swap3A_208 = arith.index_cast %add3A_207 : i32 to index
      %swap3A_209 = tpu.vector_load %arg16[%swap3A_208] {strides = array<i32>} : memref<2048xi32, #tpu.memory_space<vmem>>, vector<16xi32>,
      tpu.vector_store %arg16[%swap3A_208], %add3A_205 {strides = array<i32>} : memref<2048xi32, #tpu.memory_space<vmem>>, vector<16xi32>,
      %add3A_210 = arith.constant 256 : i32
      %add3A_211 = vector.broadcast %add3A_210 : i32 to vector<16xi32>
      %add3A_212 = arith.addi %add3A_175, %add3A_211 : vector<16xi32>
      %add3A_213 = arith.constant 1280 : i32
      %add3A_214 = arith.addi %add3A_213, %scan3A_130 : i32
      %swap3A_215 = arith.index_cast %add3A_214 : i32 to index
      %swap3A_216 = tpu.vector_load %arg16[%swap3A_215] {strides = array<i32>} : memref<2048xi32, #tpu.memory_space<vmem>>, vector<16xi32>,
      tpu.vector_store %arg16[%swap3A_215], %add3A_212 {strides = array<i32>} : memref<2048xi32, #tpu.memory_space<vmem>>, vector<16xi32>,
      %add3A_217 = arith.constant 384 : i32
      %add3A_218 = vector.broadcast %add3A_217 : i32 to vector<16xi32>
      %add3A_219 = arith.addi %add3A_175, %add3A_218 : vector<16xi32>
      %add3A_220 = arith.constant 1408 : i32
      %add3A_221 = arith.addi %add3A_220, %scan3A_130 : i32
      %swap3A_222 = arith.index_cast %add3A_221 : i32 to index
      %swap3A_223 = tpu.vector_load %arg16[%swap3A_222] {strides = array<i32>} : memref<2048xi32, #tpu.memory_space<vmem>>, vector<16xi32>,
      tpu.vector_store %arg16[%swap3A_222], %add3A_219 {strides = array<i32>} : memref<2048xi32, #tpu.memory_space<vmem>>, vector<16xi32>,
      %mul3A_224 = arith.constant 256 : i32
      %mul3A_225 = vector.broadcast %mul3A_224 : i32 to vector<16xi32>
      %mul3A_226 = arith.muli %add3A_151, %mul3A_225 : vector<16xi32>
      %add3A_227 = arith.addi %mul3A_226, %get3A_137 : vector<16xi32>
      %swap3A_228 = arith.index_cast %add3A_132 : i32 to index
      %swap3A_229 = tpu.vector_load %arg14[%swap3A_228] {strides = array<i32>} : memref<512xi32, #tpu.memory_space<vmem>>, vector<16xi32>,
      tpu.vector_store %arg14[%swap3A_228], %add3A_227 {strides = array<i32>} : memref<512xi32, #tpu.memory_space<vmem>>, vector<16xi32>,
      %add3A_230 = arith.constant 16 : i32
      %add3A_231 = arith.addi %scan3A_130, %add3A_230 : i32
      scf.yield %add3A_231 : i32
    }
    %scan3A_32 = arith.constant 8 : i32
    %scan3A_33 = arith.constant 0 : i32
    %scan3A_34 = arith.constant 0 : i32
    %scan3A_35 = arith.constant 8 : i32
    %scan3A_36 = arith.addi %scan3A_34, %scan3A_35 : i32
    %scan3A_37 = arith.constant 1 : i32
    %scan3A_38 = scf.for %scan3A_129 = %scan3A_34 to %scan3A_36 step %scan3A_37 iter_args(%scan3A_130 = %scan3A_33) -> (i32)  : i32 {
      %add3A_131 = arith.constant 384 : i32
      %add3A_132 = arith.addi %add3A_131, %scan3A_130 : i32
      %get3A = arith.index_cast %add3A_132 : i32 to index
      %get3A_133 = tpu.vector_load %arg11[%get3A] {strides = array<i32>} : memref<512xi32, #tpu.memory_space<vmem>>, vector<16xi32>,
      %get3A_134 = arith.index_cast %add3A_132 : i32 to index
      %get3A_135 = tpu.vector_load %arg12[%get3A_134] {strides = array<i32>} : memref<512xi32, #tpu.memory_space<vmem>>, vector<16xi32>,
      %get3A_136 = arith.index_cast %add3A_132 : i32 to index
      %get3A_137 = tpu.vector_load %arg13[%get3A_136] {strides = array<i32>} : memref<512xi32, #tpu.memory_space<vmem>>, vector<16xi32>,
      %shift_right_logical3A = arith.constant 3 : i32
      %shift_right_logical3A_138 = vector.broadcast %shift_right_logical3A : i32 to vector<16xi32>
      %shift_right_logical3A_139 = arith.shrui %get3A_135, %shift_right_logical3A_138 : vector<16xi32>
      %and3A = arith.constant 7 : i32
      %and3A_140 = vector.broadcast %and3A : i32 to vector<16xi32>
      %and3A_141 = arith.andi %get3A_135, %and3A_140 : vector<16xi32>
      %shift_right_logical3A_142 = arith.constant 7 : i32
      %shift_right_logical3A_143 = vector.broadcast %shift_right_logical3A_142 : i32 to vector<16xi32>
      %shift_right_logical3A_144 = arith.shrui %get3A_137, %shift_right_logical3A_143 : vector<16xi32>
      %and3A_145 = arith.constant 127 : i32
      %and3A_146 = vector.broadcast %and3A_145 : i32 to vector<16xi32>
      %and3A_147 = arith.andi %get3A_137, %and3A_146 : vector<16xi32>
      %mul3A_148 = arith.constant 1000 : i32
      %mul3A_149 = vector.broadcast %mul3A_148 : i32 to vector<16xi32>
      %mul3A_150 = arith.muli %get3A_133, %mul3A_149 : vector<16xi32>
      %add3A_151 = arith.addi %mul3A_150, %get3A_135 : vector<16xi32>
      %mul3A_152 = arith.constant 768000 : i32
      %mul3A_153 = vector.broadcast %mul3A_152 : i32 to vector<16xi32>
      %mul3A_154 = arith.muli %get3A_133, %mul3A_153 : vector<16xi32>
      %mul3A_155 = arith.constant 2048 : i32
      %mul3A_156 = vector.broadcast %mul3A_155 : i32 to vector<16xi32>
      %mul3A_157 = arith.muli %shift_right_logical3A_139, %mul3A_156 : vector<16xi32>
      %add3A_158 = arith.addi %mul3A_154, %mul3A_157 : vector<16xi32>
      %mul3A_159 = arith.constant 1024 : i32
      %mul3A_160 = vector.broadcast %mul3A_159 : i32 to vector<16xi32>
      %mul3A_161 = arith.muli %shift_right_logical3A_144, %mul3A_160 : vector<16xi32>
      %add3A_162 = arith.addi %add3A_158, %mul3A_161 : vector<16xi32>
      %mul3A_163 = arith.constant 128 : i32
      %mul3A_164 = vector.broadcast %mul3A_163 : i32 to vector<16xi32>
      %mul3A_165 = arith.muli %and3A_141, %mul3A_164 : vector<16xi32>
      %add3A_166 = arith.addi %add3A_162, %mul3A_165 : vector<16xi32>
      %add3A_167 = arith.addi %add3A_166, %and3A_147 : vector<16xi32>
      %mul3A_168 = arith.constant 1024 : i32
      %mul3A_169 = vector.broadcast %mul3A_168 : i32 to vector<16xi32>
      %mul3A_170 = arith.muli %add3A_151, %mul3A_169 : vector<16xi32>
      %mul3A_171 = arith.constant 512 : i32
      %mul3A_172 = vector.broadcast %mul3A_171 : i32 to vector<16xi32>
      %mul3A_173 = arith.muli %shift_right_logical3A_144, %mul3A_172 : vector<16xi32>
      %add3A_174 = arith.addi %mul3A_170, %mul3A_173 : vector<16xi32>
      %add3A_175 = arith.addi %add3A_174, %and3A_147 : vector<16xi32>
      %add3A_176 = arith.constant 0 : i32
      %add3A_177 = vector.broadcast %add3A_176 : i32 to vector<16xi32>
      %add3A_178 = arith.addi %add3A_167, %add3A_177 : vector<16xi32>
      %add3A_179 = arith.constant 1152 : i32
      %add3A_180 = arith.addi %add3A_179, %scan3A_130 : i32
      %swap3A = arith.index_cast %add3A_180 : i32 to index
      %swap3A_181 = tpu.vector_load %arg15[%swap3A] {strides = array<i32>} : memref<1536xi32, #tpu.memory_space<vmem>>, vector<16xi32>,
      tpu.vector_store %arg15[%swap3A], %add3A_178 {strides = array<i32>} : memref<1536xi32, #tpu.memory_space<vmem>>, vector<16xi32>,
      %add3A_182 = arith.constant 256000 : i32
      %add3A_183 = vector.broadcast %add3A_182 : i32 to vector<16xi32>
      %add3A_184 = arith.addi %add3A_167, %add3A_183 : vector<16xi32>
      %add3A_185 = arith.constant 1280 : i32
      %add3A_186 = arith.addi %add3A_185, %scan3A_130 : i32
      %swap3A_187 = arith.index_cast %add3A_186 : i32 to index
      %swap3A_188 = tpu.vector_load %arg15[%swap3A_187] {strides = array<i32>} : memref<1536xi32, #tpu.memory_space<vmem>>, vector<16xi32>,
      tpu.vector_store %arg15[%swap3A_187], %add3A_184 {strides = array<i32>} : memref<1536xi32, #tpu.memory_space<vmem>>, vector<16xi32>,
      %add3A_189 = arith.constant 512000 : i32
      %add3A_190 = vector.broadcast %add3A_189 : i32 to vector<16xi32>
      %add3A_191 = arith.addi %add3A_167, %add3A_190 : vector<16xi32>
      %add3A_192 = arith.constant 1408 : i32
      %add3A_193 = arith.addi %add3A_192, %scan3A_130 : i32
      %swap3A_194 = arith.index_cast %add3A_193 : i32 to index
      %swap3A_195 = tpu.vector_load %arg15[%swap3A_194] {strides = array<i32>} : memref<1536xi32, #tpu.memory_space<vmem>>, vector<16xi32>,
      tpu.vector_store %arg15[%swap3A_194], %add3A_191 {strides = array<i32>} : memref<1536xi32, #tpu.memory_space<vmem>>, vector<16xi32>,
      %add3A_196 = arith.constant 0 : i32
      %add3A_197 = vector.broadcast %add3A_196 : i32 to vector<16xi32>
      %add3A_198 = arith.addi %add3A_175, %add3A_197 : vector<16xi32>
      %add3A_199 = arith.constant 1536 : i32
      %add3A_200 = arith.addi %add3A_199, %scan3A_130 : i32
      %swap3A_201 = arith.index_cast %add3A_200 : i32 to index
      %swap3A_202 = tpu.vector_load %arg16[%swap3A_201] {strides = array<i32>} : memref<2048xi32, #tpu.memory_space<vmem>>, vector<16xi32>,
      tpu.vector_store %arg16[%swap3A_201], %add3A_198 {strides = array<i32>} : memref<2048xi32, #tpu.memory_space<vmem>>, vector<16xi32>,
      %add3A_203 = arith.constant 128 : i32
      %add3A_204 = vector.broadcast %add3A_203 : i32 to vector<16xi32>
      %add3A_205 = arith.addi %add3A_175, %add3A_204 : vector<16xi32>
      %add3A_206 = arith.constant 1664 : i32
      %add3A_207 = arith.addi %add3A_206, %scan3A_130 : i32
      %swap3A_208 = arith.index_cast %add3A_207 : i32 to index
      %swap3A_209 = tpu.vector_load %arg16[%swap3A_208] {strides = array<i32>} : memref<2048xi32, #tpu.memory_space<vmem>>, vector<16xi32>,
      tpu.vector_store %arg16[%swap3A_208], %add3A_205 {strides = array<i32>} : memref<2048xi32, #tpu.memory_space<vmem>>, vector<16xi32>,
      %add3A_210 = arith.constant 256 : i32
      %add3A_211 = vector.broadcast %add3A_210 : i32 to vector<16xi32>
      %add3A_212 = arith.addi %add3A_175, %add3A_211 : vector<16xi32>
      %add3A_213 = arith.constant 1792 : i32
      %add3A_214 = arith.addi %add3A_213, %scan3A_130 : i32
      %swap3A_215 = arith.index_cast %add3A_214 : i32 to index
      %swap3A_216 = tpu.vector_load %arg16[%swap3A_215] {strides = array<i32>} : memref<2048xi32, #tpu.memory_space<vmem>>, vector<16xi32>,
      tpu.vector_store %arg16[%swap3A_215], %add3A_212 {strides = array<i32>} : memref<2048xi32, #tpu.memory_space<vmem>>, vector<16xi32>,
      %add3A_217 = arith.constant 384 : i32
      %add3A_218 = vector.broadcast %add3A_217 : i32 to vector<16xi32>
      %add3A_219 = arith.addi %add3A_175, %add3A_218 : vector<16xi32>
      %add3A_220 = arith.constant 1920 : i32
      %add3A_221 = arith.addi %add3A_220, %scan3A_130 : i32
      %swap3A_222 = arith.index_cast %add3A_221 : i32 to index
      %swap3A_223 = tpu.vector_load %arg16[%swap3A_222] {strides = array<i32>} : memref<2048xi32, #tpu.memory_space<vmem>>, vector<16xi32>,
      tpu.vector_store %arg16[%swap3A_222], %add3A_219 {strides = array<i32>} : memref<2048xi32, #tpu.memory_space<vmem>>, vector<16xi32>,
      %mul3A_224 = arith.constant 256 : i32
      %mul3A_225 = vector.broadcast %mul3A_224 : i32 to vector<16xi32>
      %mul3A_226 = arith.muli %add3A_151, %mul3A_225 : vector<16xi32>
      %add3A_227 = arith.addi %mul3A_226, %get3A_137 : vector<16xi32>
      %swap3A_228 = arith.index_cast %add3A_132 : i32 to index
      %swap3A_229 = tpu.vector_load %arg14[%swap3A_228] {strides = array<i32>} : memref<512xi32, #tpu.memory_space<vmem>>, vector<16xi32>,
      tpu.vector_store %arg14[%swap3A_228], %add3A_227 {strides = array<i32>} : memref<512xi32, #tpu.memory_space<vmem>>, vector<16xi32>,
      %add3A_230 = arith.constant 16 : i32
      %add3A_231 = arith.addi %scan3A_130, %add3A_230 : i32
      scf.yield %add3A_231 : i32
    }
    %scan3A_39 = arith.constant 8 : i32
    %dma_start3A_40 = arith.constant 0 : i32
    %dma_start3A_41 = tpu.memref_slice %arg2[%dma_start3A_40] : memref<4608000xf32, #tpu.memory_space<hbm>> -> memref<4608000xf32, #tpu.memory_space<hbm>>
    tpu.enqueue_indirect_dma source(%dma_start3A_41 : memref<4608000xf32, #tpu.memory_space<hbm>>) target(%arg17 : memref<1536xf32, #tpu.memory_space<vmem>>) offsets(%arg15 : memref<1536xi32, #tpu.memory_space<vmem>>) semaphore(%arg23 : memref<!tpu.dma_semaphore, #tpu.memory_space<semaphore_mem>>)
    %dma_start3A_42 = arith.constant 0 : i32
    %dma_start3A_43 = tpu.memref_slice %arg4[%dma_start3A_42] : memref<4608000xf32, #tpu.memory_space<hbm>> -> memref<4608000xf32, #tpu.memory_space<hbm>>
    tpu.enqueue_indirect_dma source(%dma_start3A_43 : memref<4608000xf32, #tpu.memory_space<hbm>>) target(%arg18 : memref<1536xf32, #tpu.memory_space<vmem>>) offsets(%arg15 : memref<1536xi32, #tpu.memory_space<vmem>>) semaphore(%arg23 : memref<!tpu.dma_semaphore, #tpu.memory_space<semaphore_mem>>)
    %dma_start3A_44 = arith.constant 0 : i32
    %dma_start3A_45 = tpu.memref_slice %arg3[%dma_start3A_44] : memref<6144000xf32, #tpu.memory_space<hbm>> -> memref<6144000xf32, #tpu.memory_space<hbm>>
    tpu.enqueue_indirect_dma source(%dma_start3A_45 : memref<6144000xf32, #tpu.memory_space<hbm>>) target(%arg19 : memref<2048xf32, #tpu.memory_space<vmem>>) offsets(%arg16 : memref<2048xi32, #tpu.memory_space<vmem>>) semaphore(%arg23 : memref<!tpu.dma_semaphore, #tpu.memory_space<semaphore_mem>>)
    %dma_start3A_46 = arith.constant 0 : i32
    %dma_start3A_47 = tpu.memref_slice %arg5[%dma_start3A_46] : memref<1536000xf32, #tpu.memory_space<hbm>> -> memref<1536000xf32, #tpu.memory_space<hbm>>
    tpu.enqueue_indirect_dma source(%dma_start3A_47 : memref<1536000xf32, #tpu.memory_space<hbm>>) target(%arg20 : memref<512xf32, #tpu.memory_space<vmem>>) offsets(%arg14 : memref<512xi32, #tpu.memory_space<vmem>>) semaphore(%arg23 : memref<!tpu.dma_semaphore, #tpu.memory_space<semaphore_mem>>)
    %dma_wait3A_48 = arith.constant 0 : i32
    %dma_wait3A_49 = tpu.memref_slice %arg2[%dma_wait3A_48] : memref<4608000xf32, #tpu.memory_space<hbm>> -> memref<4608000xf32, #tpu.memory_space<hbm>>
    tpu.wait_indirect_dma semaphore(%arg23 : memref<!tpu.dma_semaphore, #tpu.memory_space<semaphore_mem>>) src(%dma_wait3A_49 : memref<4608000xf32, #tpu.memory_space<hbm>>) dst(%arg17 : memref<1536xf32, #tpu.memory_space<vmem>>)
    %dma_wait3A_50 = arith.constant 0 : i32
    %dma_wait3A_51 = tpu.memref_slice %arg4[%dma_wait3A_50] : memref<4608000xf32, #tpu.memory_space<hbm>> -> memref<4608000xf32, #tpu.memory_space<hbm>>
    tpu.wait_indirect_dma semaphore(%arg23 : memref<!tpu.dma_semaphore, #tpu.memory_space<semaphore_mem>>) src(%dma_wait3A_51 : memref<4608000xf32, #tpu.memory_space<hbm>>) dst(%arg18 : memref<1536xf32, #tpu.memory_space<vmem>>)
    %dma_wait3A_52 = arith.constant 0 : i32
    %dma_wait3A_53 = tpu.memref_slice %arg3[%dma_wait3A_52] : memref<6144000xf32, #tpu.memory_space<hbm>> -> memref<6144000xf32, #tpu.memory_space<hbm>>
    tpu.wait_indirect_dma semaphore(%arg23 : memref<!tpu.dma_semaphore, #tpu.memory_space<semaphore_mem>>) src(%dma_wait3A_53 : memref<6144000xf32, #tpu.memory_space<hbm>>) dst(%arg19 : memref<2048xf32, #tpu.memory_space<vmem>>)
    %dma_wait3A_54 = arith.constant 0 : i32
    %dma_wait3A_55 = tpu.memref_slice %arg5[%dma_wait3A_54] : memref<1536000xf32, #tpu.memory_space<hbm>> -> memref<1536000xf32, #tpu.memory_space<hbm>>
    tpu.wait_indirect_dma semaphore(%arg23 : memref<!tpu.dma_semaphore, #tpu.memory_space<semaphore_mem>>) src(%dma_wait3A_55 : memref<1536000xf32, #tpu.memory_space<hbm>>) dst(%arg20 : memref<512xf32, #tpu.memory_space<vmem>>)
    %broadcast_in_dim3A = arith.constant 0.000000e+00 : f32
    %broadcast_in_dim3A_56 = vector.broadcast %broadcast_in_dim3A : f32 to vector<16xf32>
    %scan3A_57 = arith.constant 0 : i32
    %scan3A_58 = arith.constant 0 : i32
    %scan3A_59 = arith.constant 8 : i32
    %scan3A_60 = arith.addi %scan3A_58, %scan3A_59 : i32
    %scan3A_61 = arith.constant 1 : i32
    %scan3A_62 = scf.for %scan3A_129 = %scan3A_58 to %scan3A_60 step %scan3A_61 iter_args(%scan3A_130 = %scan3A_57) -> (i32)  : i32 {
      %add3A_131 = arith.constant 0 : i32
      %add3A_132 = arith.addi %add3A_131, %scan3A_130 : i32
      %get3A = arith.index_cast %add3A_132 : i32 to index
      %get3A_133 = tpu.vector_load %arg17[%get3A] {strides = array<i32>} : memref<1536xf32, #tpu.memory_space<vmem>>, vector<16xf32>,
      %get3A_134 = arith.index_cast %add3A_132 : i32 to index
      %get3A_135 = tpu.vector_load %arg18[%get3A_134] {strides = array<i32>} : memref<1536xf32, #tpu.memory_space<vmem>>, vector<16xf32>,
      %add3A_136 = arith.addf %get3A_133, %get3A_135 : vector<16xf32>
      %add3A_137 = arith.constant 0 : i32
      %add3A_138 = arith.addi %add3A_137, %scan3A_130 : i32
      %swap3A = arith.index_cast %add3A_138 : i32 to index
      %swap3A_139 = tpu.vector_load %arg21[%swap3A] {strides = array<i32>} : memref<2048xf32, #tpu.memory_space<vmem>>, vector<16xf32>,
      tpu.vector_store %arg21[%swap3A], %add3A_136 {strides = array<i32>} : memref<2048xf32, #tpu.memory_space<vmem>>, vector<16xf32>,
      %add3A_140 = arith.constant 128 : i32
      %add3A_141 = arith.addi %add3A_140, %scan3A_130 : i32
      %get3A_142 = arith.index_cast %add3A_141 : i32 to index
      %get3A_143 = tpu.vector_load %arg17[%get3A_142] {strides = array<i32>} : memref<1536xf32, #tpu.memory_space<vmem>>, vector<16xf32>,
      %get3A_144 = arith.index_cast %add3A_141 : i32 to index
      %get3A_145 = tpu.vector_load %arg18[%get3A_144] {strides = array<i32>} : memref<1536xf32, #tpu.memory_space<vmem>>, vector<16xf32>,
      %add3A_146 = arith.addf %get3A_143, %get3A_145 : vector<16xf32>
      %add3A_147 = arith.constant 128 : i32
      %add3A_148 = arith.addi %add3A_147, %scan3A_130 : i32
      %swap3A_149 = arith.index_cast %add3A_148 : i32 to index
      %swap3A_150 = tpu.vector_load %arg21[%swap3A_149] {strides = array<i32>} : memref<2048xf32, #tpu.memory_space<vmem>>, vector<16xf32>,
      tpu.vector_store %arg21[%swap3A_149], %add3A_146 {strides = array<i32>} : memref<2048xf32, #tpu.memory_space<vmem>>, vector<16xf32>,
      %add3A_151 = arith.constant 256 : i32
      %add3A_152 = arith.addi %add3A_151, %scan3A_130 : i32
      %get3A_153 = arith.index_cast %add3A_152 : i32 to index
      %get3A_154 = tpu.vector_load %arg17[%get3A_153] {strides = array<i32>} : memref<1536xf32, #tpu.memory_space<vmem>>, vector<16xf32>,
      %get3A_155 = arith.index_cast %add3A_152 : i32 to index
      %get3A_156 = tpu.vector_load %arg18[%get3A_155] {strides = array<i32>} : memref<1536xf32, #tpu.memory_space<vmem>>, vector<16xf32>,
      %add3A_157 = arith.addf %get3A_154, %get3A_156 : vector<16xf32>
      %add3A_158 = arith.constant 256 : i32
      %add3A_159 = arith.addi %add3A_158, %scan3A_130 : i32
      %swap3A_160 = arith.index_cast %add3A_159 : i32 to index
      %swap3A_161 = tpu.vector_load %arg21[%swap3A_160] {strides = array<i32>} : memref<2048xf32, #tpu.memory_space<vmem>>, vector<16xf32>,
      tpu.vector_store %arg21[%swap3A_160], %add3A_157 {strides = array<i32>} : memref<2048xf32, #tpu.memory_space<vmem>>, vector<16xf32>,
      %add3A_162 = arith.constant 384 : i32
      %add3A_163 = arith.addi %add3A_162, %scan3A_130 : i32
      %swap3A_164 = arith.index_cast %add3A_163 : i32 to index
      %swap3A_165 = tpu.vector_load %arg21[%swap3A_164] {strides = array<i32>} : memref<2048xf32, #tpu.memory_space<vmem>>, vector<16xf32>,
      tpu.vector_store %arg21[%swap3A_164], %broadcast_in_dim3A_56 {strides = array<i32>} : memref<2048xf32, #tpu.memory_space<vmem>>, vector<16xf32>,
      %add3A_166 = arith.constant 16 : i32
      %add3A_167 = arith.addi %scan3A_130, %add3A_166 : i32
      scf.yield %add3A_167 : i32
    }
    %scan3A_63 = arith.constant 8 : i32
    %scan3A_64 = arith.constant 0 : i32
    %scan3A_65 = arith.constant 0 : i32
    %scan3A_66 = arith.constant 0 : i32
    %scan3A_67 = arith.constant 8 : i32
    %scan3A_68 = arith.addi %scan3A_66, %scan3A_67 : i32
    %scan3A_69 = arith.constant 1 : i32
    %scan3A_70:2 = scf.for %scan3A_129 = %scan3A_66 to %scan3A_68 step %scan3A_69 iter_args(%scan3A_130 = %scan3A_64, %scan3A_131 = %scan3A_65) -> (i32, i32)  : i32 {
      %get3A = arith.index_cast %scan3A_130 : i32 to index
      %get3A_132 = tpu.vector_load %arg20[%get3A] {strides = array<i32>} : memref<512xf32, #tpu.memory_space<vmem>>, vector<16xf32>,
      %mul3A_133 = arith.constant 5.000000e-01 : f32
      %mul3A_134 = vector.broadcast %mul3A_133 : f32 to vector<16xf32>
      %mul3A_135 = arith.mulf %get3A_132, %mul3A_134 : vector<16xf32>
      %mul3A_136 = arith.mulf %mul3A_135, %mul3A_135 : vector<16xf32>
      %mul3A_137 = arith.constant 2.48015876E-5 : f32
      %mul3A_138 = vector.broadcast %mul3A_137 : f32 to vector<16xf32>
      %mul3A_139 = arith.mulf %mul3A_136, %mul3A_138 : vector<16xf32>
      %add3A_140 = arith.constant -0.00138888892 : f32
      %add3A_141 = vector.broadcast %add3A_140 : f32 to vector<16xf32>
      %add3A_142 = arith.addf %add3A_141, %mul3A_139 : vector<16xf32>
      %mul3A_143 = arith.mulf %mul3A_136, %add3A_142 : vector<16xf32>
      %add3A_144 = arith.constant 0.0416666679 : f32
      %add3A_145 = vector.broadcast %add3A_144 : f32 to vector<16xf32>
      %add3A_146 = arith.addf %add3A_145, %mul3A_143 : vector<16xf32>
      %mul3A_147 = arith.mulf %mul3A_136, %add3A_146 : vector<16xf32>
      %add3A_148 = arith.constant -5.000000e-01 : f32
      %add3A_149 = vector.broadcast %add3A_148 : f32 to vector<16xf32>
      %add3A_150 = arith.addf %add3A_149, %mul3A_147 : vector<16xf32>
      %mul3A_151 = arith.mulf %mul3A_136, %add3A_150 : vector<16xf32>
      %add3A_152 = arith.constant 1.000000e+00 : f32
      %add3A_153 = vector.broadcast %add3A_152 : f32 to vector<16xf32>
      %add3A_154 = arith.addf %add3A_153, %mul3A_151 : vector<16xf32>
      %mul3A_155 = arith.constant 2.75573188E-6 : f32
      %mul3A_156 = vector.broadcast %mul3A_155 : f32 to vector<16xf32>
      %mul3A_157 = arith.mulf %mul3A_136, %mul3A_156 : vector<16xf32>
      %add3A_158 = arith.constant -1.98412701E-4 : f32
      %add3A_159 = vector.broadcast %add3A_158 : f32 to vector<16xf32>
      %add3A_160 = arith.addf %add3A_159, %mul3A_157 : vector<16xf32>
      %mul3A_161 = arith.mulf %mul3A_136, %add3A_160 : vector<16xf32>
      %add3A_162 = arith.constant 0.00833333377 : f32
      %add3A_163 = vector.broadcast %add3A_162 : f32 to vector<16xf32>
      %add3A_164 = arith.addf %add3A_163, %mul3A_161 : vector<16xf32>
      %mul3A_165 = arith.mulf %mul3A_136, %add3A_164 : vector<16xf32>
      %add3A_166 = arith.constant -0.166666672 : f32
      %add3A_167 = vector.broadcast %add3A_166 : f32 to vector<16xf32>
      %add3A_168 = arith.addf %add3A_167, %mul3A_165 : vector<16xf32>
      %mul3A_169 = arith.mulf %mul3A_136, %add3A_168 : vector<16xf32>
      %add3A_170 = arith.constant 1.000000e+00 : f32
      %add3A_171 = vector.broadcast %add3A_170 : f32 to vector<16xf32>
      %add3A_172 = arith.addf %add3A_171, %mul3A_169 : vector<16xf32>
      %mul3A_173 = arith.mulf %mul3A_135, %add3A_172 : vector<16xf32>
      %get3A_174 = arith.index_cast %scan3A_131 : i32 to index
      %get3A_175 = tpu.vector_load %arg19[%get3A_174] {strides = array<i32>} : memref<2048xf32, #tpu.memory_space<vmem>>, vector<16xf32>,
      %add3A_176 = arith.constant 128 : i32
      %add3A_177 = arith.addi %scan3A_131, %add3A_176 : i32
      %get3A_178 = arith.index_cast %add3A_177 : i32 to index
      %get3A_179 = tpu.vector_load %arg19[%get3A_178] {strides = array<i32>} : memref<2048xf32, #tpu.memory_space<vmem>>, vector<16xf32>,
      %add3A_180 = arith.constant 256 : i32
      %add3A_181 = arith.addi %scan3A_131, %add3A_180 : i32
      %get3A_182 = arith.index_cast %add3A_181 : i32 to index
      %get3A_183 = tpu.vector_load %arg19[%get3A_182] {strides = array<i32>} : memref<2048xf32, #tpu.memory_space<vmem>>, vector<16xf32>,
      %add3A_184 = arith.constant 384 : i32
      %add3A_185 = arith.addi %scan3A_131, %add3A_184 : i32
      %get3A_186 = arith.index_cast %add3A_185 : i32 to index
      %get3A_187 = tpu.vector_load %arg19[%get3A_186] {strides = array<i32>} : memref<2048xf32, #tpu.memory_space<vmem>>, vector<16xf32>,
      %mul3A_188 = arith.mulf %get3A_175, %add3A_154 : vector<16xf32>
      %mul3A_189 = arith.mulf %get3A_187, %mul3A_173 : vector<16xf32>
      %sub3A = arith.subf %mul3A_188, %mul3A_189 : vector<16xf32>
      %swap3A = arith.index_cast %scan3A_131 : i32 to index
      %swap3A_190 = tpu.vector_load %arg22[%swap3A] {strides = array<i32>} : memref<2048xf32, #tpu.memory_space<vmem>>, vector<16xf32>,
      tpu.vector_store %arg22[%swap3A], %sub3A {strides = array<i32>} : memref<2048xf32, #tpu.memory_space<vmem>>, vector<16xf32>,
      %mul3A_191 = arith.mulf %get3A_179, %add3A_154 : vector<16xf32>
      %mul3A_192 = arith.mulf %get3A_183, %mul3A_173 : vector<16xf32>
      %add3A_193 = arith.addf %mul3A_191, %mul3A_192 : vector<16xf32>
      %add3A_194 = arith.constant 128 : i32
      %add3A_195 = arith.addi %scan3A_131, %add3A_194 : i32
      %swap3A_196 = arith.index_cast %add3A_195 : i32 to index
      %swap3A_197 = tpu.vector_load %arg22[%swap3A_196] {strides = array<i32>} : memref<2048xf32, #tpu.memory_space<vmem>>, vector<16xf32>,
      tpu.vector_store %arg22[%swap3A_196], %add3A_193 {strides = array<i32>} : memref<2048xf32, #tpu.memory_space<vmem>>, vector<16xf32>,
      %mul3A_198 = arith.mulf %get3A_183, %add3A_154 : vector<16xf32>
      %mul3A_199 = arith.mulf %get3A_179, %mul3A_173 : vector<16xf32>
      %sub3A_200 = arith.subf %mul3A_198, %mul3A_199 : vector<16xf32>
      %add3A_201 = arith.constant 256 : i32
      %add3A_202 = arith.addi %scan3A_131, %add3A_201 : i32
      %swap3A_203 = arith.index_cast %add3A_202 : i32 to index
      %swap3A_204 = tpu.vector_load %arg22[%swap3A_203] {strides = array<i32>} : memref<2048xf32, #tpu.memory_space<vmem>>, vector<16xf32>,
      tpu.vector_store %arg22[%swap3A_203], %sub3A_200 {strides = array<i32>} : memref<2048xf32, #tpu.memory_space<vmem>>, vector<16xf32>,
      %mul3A_205 = arith.mulf %get3A_187, %add3A_154 : vector<16xf32>
      %mul3A_206 = arith.mulf %get3A_175, %mul3A_173 : vector<16xf32>
      %add3A_207 = arith.addf %mul3A_205, %mul3A_206 : vector<16xf32>
      %add3A_208 = arith.constant 384 : i32
      %add3A_209 = arith.addi %scan3A_131, %add3A_208 : i32
      %swap3A_210 = arith.index_cast %add3A_209 : i32 to index
      %swap3A_211 = tpu.vector_load %arg22[%swap3A_210] {strides = array<i32>} : memref<2048xf32, #tpu.memory_space<vmem>>, vector<16xf32>,
      tpu.vector_store %arg22[%swap3A_210], %add3A_207 {strides = array<i32>} : memref<2048xf32, #tpu.memory_space<vmem>>, vector<16xf32>,
      %add3A_212 = arith.constant 16 : i32
      %add3A_213 = arith.addi %scan3A_130, %add3A_212 : i32
      %add3A_214 = arith.constant 16 : i32
      %add3A_215 = arith.addi %scan3A_131, %add3A_214 : i32
      scf.yield %add3A_213, %add3A_215 : i32, i32
    }
    %scan3A_71 = arith.constant 8 : i32
    %scan3A_72 = arith.constant 0 : i32
    %scan3A_73 = arith.constant 0 : i32
    %scan3A_74 = arith.constant 8 : i32
    %scan3A_75 = arith.addi %scan3A_73, %scan3A_74 : i32
    %scan3A_76 = arith.constant 1 : i32
    %scan3A_77 = scf.for %scan3A_129 = %scan3A_73 to %scan3A_75 step %scan3A_76 iter_args(%scan3A_130 = %scan3A_72) -> (i32)  : i32 {
      %add3A_131 = arith.constant 384 : i32
      %add3A_132 = arith.addi %add3A_131, %scan3A_130 : i32
      %get3A = arith.index_cast %add3A_132 : i32 to index
      %get3A_133 = tpu.vector_load %arg17[%get3A] {strides = array<i32>} : memref<1536xf32, #tpu.memory_space<vmem>>, vector<16xf32>,
      %get3A_134 = arith.index_cast %add3A_132 : i32 to index
      %get3A_135 = tpu.vector_load %arg18[%get3A_134] {strides = array<i32>} : memref<1536xf32, #tpu.memory_space<vmem>>, vector<16xf32>,
      %add3A_136 = arith.addf %get3A_133, %get3A_135 : vector<16xf32>
      %add3A_137 = arith.constant 512 : i32
      %add3A_138 = arith.addi %add3A_137, %scan3A_130 : i32
      %swap3A = arith.index_cast %add3A_138 : i32 to index
      %swap3A_139 = tpu.vector_load %arg21[%swap3A] {strides = array<i32>} : memref<2048xf32, #tpu.memory_space<vmem>>, vector<16xf32>,
      tpu.vector_store %arg21[%swap3A], %add3A_136 {strides = array<i32>} : memref<2048xf32, #tpu.memory_space<vmem>>, vector<16xf32>,
      %add3A_140 = arith.constant 512 : i32
      %add3A_141 = arith.addi %add3A_140, %scan3A_130 : i32
      %get3A_142 = arith.index_cast %add3A_141 : i32 to index
      %get3A_143 = tpu.vector_load %arg17[%get3A_142] {strides = array<i32>} : memref<1536xf32, #tpu.memory_space<vmem>>, vector<16xf32>,
      %get3A_144 = arith.index_cast %add3A_141 : i32 to index
      %get3A_145 = tpu.vector_load %arg18[%get3A_144] {strides = array<i32>} : memref<1536xf32, #tpu.memory_space<vmem>>, vector<16xf32>,
      %add3A_146 = arith.addf %get3A_143, %get3A_145 : vector<16xf32>
      %add3A_147 = arith.constant 640 : i32
      %add3A_148 = arith.addi %add3A_147, %scan3A_130 : i32
      %swap3A_149 = arith.index_cast %add3A_148 : i32 to index
      %swap3A_150 = tpu.vector_load %arg21[%swap3A_149] {strides = array<i32>} : memref<2048xf32, #tpu.memory_space<vmem>>, vector<16xf32>,
      tpu.vector_store %arg21[%swap3A_149], %add3A_146 {strides = array<i32>} : memref<2048xf32, #tpu.memory_space<vmem>>, vector<16xf32>,
      %add3A_151 = arith.constant 640 : i32
      %add3A_152 = arith.addi %add3A_151, %scan3A_130 : i32
      %get3A_153 = arith.index_cast %add3A_152 : i32 to index
      %get3A_154 = tpu.vector_load %arg17[%get3A_153] {strides = array<i32>} : memref<1536xf32, #tpu.memory_space<vmem>>, vector<16xf32>,
      %get3A_155 = arith.index_cast %add3A_152 : i32 to index
      %get3A_156 = tpu.vector_load %arg18[%get3A_155] {strides = array<i32>} : memref<1536xf32, #tpu.memory_space<vmem>>, vector<16xf32>,
      %add3A_157 = arith.addf %get3A_154, %get3A_156 : vector<16xf32>
      %add3A_158 = arith.constant 768 : i32
      %add3A_159 = arith.addi %add3A_158, %scan3A_130 : i32
      %swap3A_160 = arith.index_cast %add3A_159 : i32 to index
      %swap3A_161 = tpu.vector_load %arg21[%swap3A_160] {strides = array<i32>} : memref<2048xf32, #tpu.memory_space<vmem>>, vector<16xf32>,
      tpu.vector_store %arg21[%swap3A_160], %add3A_157 {strides = array<i32>} : memref<2048xf32, #tpu.memory_space<vmem>>, vector<16xf32>,
      %add3A_162 = arith.constant 896 : i32
      %add3A_163 = arith.addi %add3A_162, %scan3A_130 : i32
      %swap3A_164 = arith.index_cast %add3A_163 : i32 to index
      %swap3A_165 = tpu.vector_load %arg21[%swap3A_164] {strides = array<i32>} : memref<2048xf32, #tpu.memory_space<vmem>>, vector<16xf32>,
      tpu.vector_store %arg21[%swap3A_164], %broadcast_in_dim3A_56 {strides = array<i32>} : memref<2048xf32, #tpu.memory_space<vmem>>, vector<16xf32>,
      %add3A_166 = arith.constant 16 : i32
      %add3A_167 = arith.addi %scan3A_130, %add3A_166 : i32
      scf.yield %add3A_167 : i32
    }
    %scan3A_78 = arith.constant 8 : i32
    %scan3A_79 = arith.constant 128 : i32
    %scan3A_80 = arith.constant 512 : i32
    %scan3A_81 = arith.constant 0 : i32
    %scan3A_82 = arith.constant 8 : i32
    %scan3A_83 = arith.addi %scan3A_81, %scan3A_82 : i32
    %scan3A_84 = arith.constant 1 : i32
    %scan3A_85:2 = scf.for %scan3A_129 = %scan3A_81 to %scan3A_83 step %scan3A_84 iter_args(%scan3A_130 = %scan3A_79, %scan3A_131 = %scan3A_80) -> (i32, i32)  : i32 {
      %get3A = arith.index_cast %scan3A_130 : i32 to index
      %get3A_132 = tpu.vector_load %arg20[%get3A] {strides = array<i32>} : memref<512xf32, #tpu.memory_space<vmem>>, vector<16xf32>,
      %mul3A_133 = arith.constant 5.000000e-01 : f32
      %mul3A_134 = vector.broadcast %mul3A_133 : f32 to vector<16xf32>
      %mul3A_135 = arith.mulf %get3A_132, %mul3A_134 : vector<16xf32>
      %mul3A_136 = arith.mulf %mul3A_135, %mul3A_135 : vector<16xf32>
      %mul3A_137 = arith.constant 2.48015876E-5 : f32
      %mul3A_138 = vector.broadcast %mul3A_137 : f32 to vector<16xf32>
      %mul3A_139 = arith.mulf %mul3A_136, %mul3A_138 : vector<16xf32>
      %add3A_140 = arith.constant -0.00138888892 : f32
      %add3A_141 = vector.broadcast %add3A_140 : f32 to vector<16xf32>
      %add3A_142 = arith.addf %add3A_141, %mul3A_139 : vector<16xf32>
      %mul3A_143 = arith.mulf %mul3A_136, %add3A_142 : vector<16xf32>
      %add3A_144 = arith.constant 0.0416666679 : f32
      %add3A_145 = vector.broadcast %add3A_144 : f32 to vector<16xf32>
      %add3A_146 = arith.addf %add3A_145, %mul3A_143 : vector<16xf32>
      %mul3A_147 = arith.mulf %mul3A_136, %add3A_146 : vector<16xf32>
      %add3A_148 = arith.constant -5.000000e-01 : f32
      %add3A_149 = vector.broadcast %add3A_148 : f32 to vector<16xf32>
      %add3A_150 = arith.addf %add3A_149, %mul3A_147 : vector<16xf32>
      %mul3A_151 = arith.mulf %mul3A_136, %add3A_150 : vector<16xf32>
      %add3A_152 = arith.constant 1.000000e+00 : f32
      %add3A_153 = vector.broadcast %add3A_152 : f32 to vector<16xf32>
      %add3A_154 = arith.addf %add3A_153, %mul3A_151 : vector<16xf32>
      %mul3A_155 = arith.constant 2.75573188E-6 : f32
      %mul3A_156 = vector.broadcast %mul3A_155 : f32 to vector<16xf32>
      %mul3A_157 = arith.mulf %mul3A_136, %mul3A_156 : vector<16xf32>
      %add3A_158 = arith.constant -1.98412701E-4 : f32
      %add3A_159 = vector.broadcast %add3A_158 : f32 to vector<16xf32>
      %add3A_160 = arith.addf %add3A_159, %mul3A_157 : vector<16xf32>
      %mul3A_161 = arith.mulf %mul3A_136, %add3A_160 : vector<16xf32>
      %add3A_162 = arith.constant 0.00833333377 : f32
      %add3A_163 = vector.broadcast %add3A_162 : f32 to vector<16xf32>
      %add3A_164 = arith.addf %add3A_163, %mul3A_161 : vector<16xf32>
      %mul3A_165 = arith.mulf %mul3A_136, %add3A_164 : vector<16xf32>
      %add3A_166 = arith.constant -0.166666672 : f32
      %add3A_167 = vector.broadcast %add3A_166 : f32 to vector<16xf32>
      %add3A_168 = arith.addf %add3A_167, %mul3A_165 : vector<16xf32>
      %mul3A_169 = arith.mulf %mul3A_136, %add3A_168 : vector<16xf32>
      %add3A_170 = arith.constant 1.000000e+00 : f32
      %add3A_171 = vector.broadcast %add3A_170 : f32 to vector<16xf32>
      %add3A_172 = arith.addf %add3A_171, %mul3A_169 : vector<16xf32>
      %mul3A_173 = arith.mulf %mul3A_135, %add3A_172 : vector<16xf32>
      %get3A_174 = arith.index_cast %scan3A_131 : i32 to index
      %get3A_175 = tpu.vector_load %arg19[%get3A_174] {strides = array<i32>} : memref<2048xf32, #tpu.memory_space<vmem>>, vector<16xf32>,
      %add3A_176 = arith.constant 128 : i32
      %add3A_177 = arith.addi %scan3A_131, %add3A_176 : i32
      %get3A_178 = arith.index_cast %add3A_177 : i32 to index
      %get3A_179 = tpu.vector_load %arg19[%get3A_178] {strides = array<i32>} : memref<2048xf32, #tpu.memory_space<vmem>>, vector<16xf32>,
      %add3A_180 = arith.constant 256 : i32
      %add3A_181 = arith.addi %scan3A_131, %add3A_180 : i32
      %get3A_182 = arith.index_cast %add3A_181 : i32 to index
      %get3A_183 = tpu.vector_load %arg19[%get3A_182] {strides = array<i32>} : memref<2048xf32, #tpu.memory_space<vmem>>, vector<16xf32>,
      %add3A_184 = arith.constant 384 : i32
      %add3A_185 = arith.addi %scan3A_131, %add3A_184 : i32
      %get3A_186 = arith.index_cast %add3A_185 : i32 to index
      %get3A_187 = tpu.vector_load %arg19[%get3A_186] {strides = array<i32>} : memref<2048xf32, #tpu.memory_space<vmem>>, vector<16xf32>,
      %mul3A_188 = arith.mulf %get3A_175, %add3A_154 : vector<16xf32>
      %mul3A_189 = arith.mulf %get3A_187, %mul3A_173 : vector<16xf32>
      %sub3A = arith.subf %mul3A_188, %mul3A_189 : vector<16xf32>
      %swap3A = arith.index_cast %scan3A_131 : i32 to index
      %swap3A_190 = tpu.vector_load %arg22[%swap3A] {strides = array<i32>} : memref<2048xf32, #tpu.memory_space<vmem>>, vector<16xf32>,
      tpu.vector_store %arg22[%swap3A], %sub3A {strides = array<i32>} : memref<2048xf32, #tpu.memory_space<vmem>>, vector<16xf32>,
      %mul3A_191 = arith.mulf %get3A_179, %add3A_154 : vector<16xf32>
      %mul3A_192 = arith.mulf %get3A_183, %mul3A_173 : vector<16xf32>
      %add3A_193 = arith.addf %mul3A_191, %mul3A_192 : vector<16xf32>
      %add3A_194 = arith.constant 128 : i32
      %add3A_195 = arith.addi %scan3A_131, %add3A_194 : i32
      %swap3A_196 = arith.index_cast %add3A_195 : i32 to index
      %swap3A_197 = tpu.vector_load %arg22[%swap3A_196] {strides = array<i32>} : memref<2048xf32, #tpu.memory_space<vmem>>, vector<16xf32>,
      tpu.vector_store %arg22[%swap3A_196], %add3A_193 {strides = array<i32>} : memref<2048xf32, #tpu.memory_space<vmem>>, vector<16xf32>,
      %mul3A_198 = arith.mulf %get3A_183, %add3A_154 : vector<16xf32>
      %mul3A_199 = arith.mulf %get3A_179, %mul3A_173 : vector<16xf32>
      %sub3A_200 = arith.subf %mul3A_198, %mul3A_199 : vector<16xf32>
      %add3A_201 = arith.constant 256 : i32
      %add3A_202 = arith.addi %scan3A_131, %add3A_201 : i32
      %swap3A_203 = arith.index_cast %add3A_202 : i32 to index
      %swap3A_204 = tpu.vector_load %arg22[%swap3A_203] {strides = array<i32>} : memref<2048xf32, #tpu.memory_space<vmem>>, vector<16xf32>,
      tpu.vector_store %arg22[%swap3A_203], %sub3A_200 {strides = array<i32>} : memref<2048xf32, #tpu.memory_space<vmem>>, vector<16xf32>,
      %mul3A_205 = arith.mulf %get3A_187, %add3A_154 : vector<16xf32>
      %mul3A_206 = arith.mulf %get3A_175, %mul3A_173 : vector<16xf32>
      %add3A_207 = arith.addf %mul3A_205, %mul3A_206 : vector<16xf32>
      %add3A_208 = arith.constant 384 : i32
      %add3A_209 = arith.addi %scan3A_131, %add3A_208 : i32
      %swap3A_210 = arith.index_cast %add3A_209 : i32 to index
      %swap3A_211 = tpu.vector_load %arg22[%swap3A_210] {strides = array<i32>} : memref<2048xf32, #tpu.memory_space<vmem>>, vector<16xf32>,
      tpu.vector_store %arg22[%swap3A_210], %add3A_207 {strides = array<i32>} : memref<2048xf32, #tpu.memory_space<vmem>>, vector<16xf32>,
      %add3A_212 = arith.constant 16 : i32
      %add3A_213 = arith.addi %scan3A_130, %add3A_212 : i32
      %add3A_214 = arith.constant 16 : i32
      %add3A_215 = arith.addi %scan3A_131, %add3A_214 : i32
      scf.yield %add3A_213, %add3A_215 : i32, i32
    }
    %scan3A_86 = arith.constant 8 : i32
    %scan3A_87 = arith.constant 0 : i32
    %scan3A_88 = arith.constant 0 : i32
    %scan3A_89 = arith.constant 8 : i32
    %scan3A_90 = arith.addi %scan3A_88, %scan3A_89 : i32
    %scan3A_91 = arith.constant 1 : i32
    %scan3A_92 = scf.for %scan3A_129 = %scan3A_88 to %scan3A_90 step %scan3A_91 iter_args(%scan3A_130 = %scan3A_87) -> (i32)  : i32 {
      %add3A_131 = arith.constant 768 : i32
      %add3A_132 = arith.addi %add3A_131, %scan3A_130 : i32
      %get3A = arith.index_cast %add3A_132 : i32 to index
      %get3A_133 = tpu.vector_load %arg17[%get3A] {strides = array<i32>} : memref<1536xf32, #tpu.memory_space<vmem>>, vector<16xf32>,
      %get3A_134 = arith.index_cast %add3A_132 : i32 to index
      %get3A_135 = tpu.vector_load %arg18[%get3A_134] {strides = array<i32>} : memref<1536xf32, #tpu.memory_space<vmem>>, vector<16xf32>,
      %add3A_136 = arith.addf %get3A_133, %get3A_135 : vector<16xf32>
      %add3A_137 = arith.constant 1024 : i32
      %add3A_138 = arith.addi %add3A_137, %scan3A_130 : i32
      %swap3A = arith.index_cast %add3A_138 : i32 to index
      %swap3A_139 = tpu.vector_load %arg21[%swap3A] {strides = array<i32>} : memref<2048xf32, #tpu.memory_space<vmem>>, vector<16xf32>,
      tpu.vector_store %arg21[%swap3A], %add3A_136 {strides = array<i32>} : memref<2048xf32, #tpu.memory_space<vmem>>, vector<16xf32>,
      %add3A_140 = arith.constant 896 : i32
      %add3A_141 = arith.addi %add3A_140, %scan3A_130 : i32
      %get3A_142 = arith.index_cast %add3A_141 : i32 to index
      %get3A_143 = tpu.vector_load %arg17[%get3A_142] {strides = array<i32>} : memref<1536xf32, #tpu.memory_space<vmem>>, vector<16xf32>,
      %get3A_144 = arith.index_cast %add3A_141 : i32 to index
      %get3A_145 = tpu.vector_load %arg18[%get3A_144] {strides = array<i32>} : memref<1536xf32, #tpu.memory_space<vmem>>, vector<16xf32>,
      %add3A_146 = arith.addf %get3A_143, %get3A_145 : vector<16xf32>
      %add3A_147 = arith.constant 1152 : i32
      %add3A_148 = arith.addi %add3A_147, %scan3A_130 : i32
      %swap3A_149 = arith.index_cast %add3A_148 : i32 to index
      %swap3A_150 = tpu.vector_load %arg21[%swap3A_149] {strides = array<i32>} : memref<2048xf32, #tpu.memory_space<vmem>>, vector<16xf32>,
      tpu.vector_store %arg21[%swap3A_149], %add3A_146 {strides = array<i32>} : memref<2048xf32, #tpu.memory_space<vmem>>, vector<16xf32>,
      %add3A_151 = arith.constant 1024 : i32
      %add3A_152 = arith.addi %add3A_151, %scan3A_130 : i32
      %get3A_153 = arith.index_cast %add3A_152 : i32 to index
      %get3A_154 = tpu.vector_load %arg17[%get3A_153] {strides = array<i32>} : memref<1536xf32, #tpu.memory_space<vmem>>, vector<16xf32>,
      %get3A_155 = arith.index_cast %add3A_152 : i32 to index
      %get3A_156 = tpu.vector_load %arg18[%get3A_155] {strides = array<i32>} : memref<1536xf32, #tpu.memory_space<vmem>>, vector<16xf32>,
      %add3A_157 = arith.addf %get3A_154, %get3A_156 : vector<16xf32>
      %add3A_158 = arith.constant 1280 : i32
      %add3A_159 = arith.addi %add3A_158, %scan3A_130 : i32
      %swap3A_160 = arith.index_cast %add3A_159 : i32 to index
      %swap3A_161 = tpu.vector_load %arg21[%swap3A_160] {strides = array<i32>} : memref<2048xf32, #tpu.memory_space<vmem>>, vector<16xf32>,
      tpu.vector_store %arg21[%swap3A_160], %add3A_157 {strides = array<i32>} : memref<2048xf32, #tpu.memory_space<vmem>>, vector<16xf32>,
      %add3A_162 = arith.constant 1408 : i32
      %add3A_163 = arith.addi %add3A_162, %scan3A_130 : i32
      %swap3A_164 = arith.index_cast %add3A_163 : i32 to index
      %swap3A_165 = tpu.vector_load %arg21[%swap3A_164] {strides = array<i32>} : memref<2048xf32, #tpu.memory_space<vmem>>, vector<16xf32>,
      tpu.vector_store %arg21[%swap3A_164], %broadcast_in_dim3A_56 {strides = array<i32>} : memref<2048xf32, #tpu.memory_space<vmem>>, vector<16xf32>,
      %add3A_166 = arith.constant 16 : i32
      %add3A_167 = arith.addi %scan3A_130, %add3A_166 : i32
      scf.yield %add3A_167 : i32
    }
    %scan3A_93 = arith.constant 8 : i32
    %scan3A_94 = arith.constant 256 : i32
    %scan3A_95 = arith.constant 1024 : i32
    %scan3A_96 = arith.constant 0 : i32
    %scan3A_97 = arith.constant 8 : i32
    %scan3A_98 = arith.addi %scan3A_96, %scan3A_97 : i32
    %scan3A_99 = arith.constant 1 : i32
    %scan3A_100:2 = scf.for %scan3A_129 = %scan3A_96 to %scan3A_98 step %scan3A_99 iter_args(%scan3A_130 = %scan3A_94, %scan3A_131 = %scan3A_95) -> (i32, i32)  : i32 {
      %get3A = arith.index_cast %scan3A_130 : i32 to index
      %get3A_132 = tpu.vector_load %arg20[%get3A] {strides = array<i32>} : memref<512xf32, #tpu.memory_space<vmem>>, vector<16xf32>,
      %mul3A_133 = arith.constant 5.000000e-01 : f32
      %mul3A_134 = vector.broadcast %mul3A_133 : f32 to vector<16xf32>
      %mul3A_135 = arith.mulf %get3A_132, %mul3A_134 : vector<16xf32>
      %mul3A_136 = arith.mulf %mul3A_135, %mul3A_135 : vector<16xf32>
      %mul3A_137 = arith.constant 2.48015876E-5 : f32
      %mul3A_138 = vector.broadcast %mul3A_137 : f32 to vector<16xf32>
      %mul3A_139 = arith.mulf %mul3A_136, %mul3A_138 : vector<16xf32>
      %add3A_140 = arith.constant -0.00138888892 : f32
      %add3A_141 = vector.broadcast %add3A_140 : f32 to vector<16xf32>
      %add3A_142 = arith.addf %add3A_141, %mul3A_139 : vector<16xf32>
      %mul3A_143 = arith.mulf %mul3A_136, %add3A_142 : vector<16xf32>
      %add3A_144 = arith.constant 0.0416666679 : f32
      %add3A_145 = vector.broadcast %add3A_144 : f32 to vector<16xf32>
      %add3A_146 = arith.addf %add3A_145, %mul3A_143 : vector<16xf32>
      %mul3A_147 = arith.mulf %mul3A_136, %add3A_146 : vector<16xf32>
      %add3A_148 = arith.constant -5.000000e-01 : f32
      %add3A_149 = vector.broadcast %add3A_148 : f32 to vector<16xf32>
      %add3A_150 = arith.addf %add3A_149, %mul3A_147 : vector<16xf32>
      %mul3A_151 = arith.mulf %mul3A_136, %add3A_150 : vector<16xf32>
      %add3A_152 = arith.constant 1.000000e+00 : f32
      %add3A_153 = vector.broadcast %add3A_152 : f32 to vector<16xf32>
      %add3A_154 = arith.addf %add3A_153, %mul3A_151 : vector<16xf32>
      %mul3A_155 = arith.constant 2.75573188E-6 : f32
      %mul3A_156 = vector.broadcast %mul3A_155 : f32 to vector<16xf32>
      %mul3A_157 = arith.mulf %mul3A_136, %mul3A_156 : vector<16xf32>
      %add3A_158 = arith.constant -1.98412701E-4 : f32
      %add3A_159 = vector.broadcast %add3A_158 : f32 to vector<16xf32>
      %add3A_160 = arith.addf %add3A_159, %mul3A_157 : vector<16xf32>
      %mul3A_161 = arith.mulf %mul3A_136, %add3A_160 : vector<16xf32>
      %add3A_162 = arith.constant 0.00833333377 : f32
      %add3A_163 = vector.broadcast %add3A_162 : f32 to vector<16xf32>
      %add3A_164 = arith.addf %add3A_163, %mul3A_161 : vector<16xf32>
      %mul3A_165 = arith.mulf %mul3A_136, %add3A_164 : vector<16xf32>
      %add3A_166 = arith.constant -0.166666672 : f32
      %add3A_167 = vector.broadcast %add3A_166 : f32 to vector<16xf32>
      %add3A_168 = arith.addf %add3A_167, %mul3A_165 : vector<16xf32>
      %mul3A_169 = arith.mulf %mul3A_136, %add3A_168 : vector<16xf32>
      %add3A_170 = arith.constant 1.000000e+00 : f32
      %add3A_171 = vector.broadcast %add3A_170 : f32 to vector<16xf32>
      %add3A_172 = arith.addf %add3A_171, %mul3A_169 : vector<16xf32>
      %mul3A_173 = arith.mulf %mul3A_135, %add3A_172 : vector<16xf32>
      %get3A_174 = arith.index_cast %scan3A_131 : i32 to index
      %get3A_175 = tpu.vector_load %arg19[%get3A_174] {strides = array<i32>} : memref<2048xf32, #tpu.memory_space<vmem>>, vector<16xf32>,
      %add3A_176 = arith.constant 128 : i32
      %add3A_177 = arith.addi %scan3A_131, %add3A_176 : i32
      %get3A_178 = arith.index_cast %add3A_177 : i32 to index
      %get3A_179 = tpu.vector_load %arg19[%get3A_178] {strides = array<i32>} : memref<2048xf32, #tpu.memory_space<vmem>>, vector<16xf32>,
      %add3A_180 = arith.constant 256 : i32
      %add3A_181 = arith.addi %scan3A_131, %add3A_180 : i32
      %get3A_182 = arith.index_cast %add3A_181 : i32 to index
      %get3A_183 = tpu.vector_load %arg19[%get3A_182] {strides = array<i32>} : memref<2048xf32, #tpu.memory_space<vmem>>, vector<16xf32>,
      %add3A_184 = arith.constant 384 : i32
      %add3A_185 = arith.addi %scan3A_131, %add3A_184 : i32
      %get3A_186 = arith.index_cast %add3A_185 : i32 to index
      %get3A_187 = tpu.vector_load %arg19[%get3A_186] {strides = array<i32>} : memref<2048xf32, #tpu.memory_space<vmem>>, vector<16xf32>,
      %mul3A_188 = arith.mulf %get3A_175, %add3A_154 : vector<16xf32>
      %mul3A_189 = arith.mulf %get3A_187, %mul3A_173 : vector<16xf32>
      %sub3A = arith.subf %mul3A_188, %mul3A_189 : vector<16xf32>
      %swap3A = arith.index_cast %scan3A_131 : i32 to index
      %swap3A_190 = tpu.vector_load %arg22[%swap3A] {strides = array<i32>} : memref<2048xf32, #tpu.memory_space<vmem>>, vector<16xf32>,
      tpu.vector_store %arg22[%swap3A], %sub3A {strides = array<i32>} : memref<2048xf32, #tpu.memory_space<vmem>>, vector<16xf32>,
      %mul3A_191 = arith.mulf %get3A_179, %add3A_154 : vector<16xf32>
      %mul3A_192 = arith.mulf %get3A_183, %mul3A_173 : vector<16xf32>
      %add3A_193 = arith.addf %mul3A_191, %mul3A_192 : vector<16xf32>
      %add3A_194 = arith.constant 128 : i32
      %add3A_195 = arith.addi %scan3A_131, %add3A_194 : i32
      %swap3A_196 = arith.index_cast %add3A_195 : i32 to index
      %swap3A_197 = tpu.vector_load %arg22[%swap3A_196] {strides = array<i32>} : memref<2048xf32, #tpu.memory_space<vmem>>, vector<16xf32>,
      tpu.vector_store %arg22[%swap3A_196], %add3A_193 {strides = array<i32>} : memref<2048xf32, #tpu.memory_space<vmem>>, vector<16xf32>,
      %mul3A_198 = arith.mulf %get3A_183, %add3A_154 : vector<16xf32>
      %mul3A_199 = arith.mulf %get3A_179, %mul3A_173 : vector<16xf32>
      %sub3A_200 = arith.subf %mul3A_198, %mul3A_199 : vector<16xf32>
      %add3A_201 = arith.constant 256 : i32
      %add3A_202 = arith.addi %scan3A_131, %add3A_201 : i32
      %swap3A_203 = arith.index_cast %add3A_202 : i32 to index
      %swap3A_204 = tpu.vector_load %arg22[%swap3A_203] {strides = array<i32>} : memref<2048xf32, #tpu.memory_space<vmem>>, vector<16xf32>,
      tpu.vector_store %arg22[%swap3A_203], %sub3A_200 {strides = array<i32>} : memref<2048xf32, #tpu.memory_space<vmem>>, vector<16xf32>,
      %mul3A_205 = arith.mulf %get3A_187, %add3A_154 : vector<16xf32>
      %mul3A_206 = arith.mulf %get3A_175, %mul3A_173 : vector<16xf32>
      %add3A_207 = arith.addf %mul3A_205, %mul3A_206 : vector<16xf32>
      %add3A_208 = arith.constant 384 : i32
      %add3A_209 = arith.addi %scan3A_131, %add3A_208 : i32
      %swap3A_210 = arith.index_cast %add3A_209 : i32 to index
      %swap3A_211 = tpu.vector_load %arg22[%swap3A_210] {strides = array<i32>} : memref<2048xf32, #tpu.memory_space<vmem>>, vector<16xf32>,
      tpu.vector_store %arg22[%swap3A_210], %add3A_207 {strides = array<i32>} : memref<2048xf32, #tpu.memory_space<vmem>>, vector<16xf32>,
      %add3A_212 = arith.constant 16 : i32
      %add3A_213 = arith.addi %scan3A_130, %add3A_212 : i32
      %add3A_214 = arith.constant 16 : i32
      %add3A_215 = arith.addi %scan3A_131, %add3A_214 : i32
      scf.yield %add3A_213, %add3A_215 : i32, i32
    }
    %scan3A_101 = arith.constant 8 : i32
    %scan3A_102 = arith.constant 0 : i32
    %scan3A_103 = arith.constant 0 : i32
    %scan3A_104 = arith.constant 8 : i32
    %scan3A_105 = arith.addi %scan3A_103, %scan3A_104 : i32
    %scan3A_106 = arith.constant 1 : i32
    %scan3A_107 = scf.for %scan3A_129 = %scan3A_103 to %scan3A_105 step %scan3A_106 iter_args(%scan3A_130 = %scan3A_102) -> (i32)  : i32 {
      %add3A_131 = arith.constant 1152 : i32
      %add3A_132 = arith.addi %add3A_131, %scan3A_130 : i32
      %get3A = arith.index_cast %add3A_132 : i32 to index
      %get3A_133 = tpu.vector_load %arg17[%get3A] {strides = array<i32>} : memref<1536xf32, #tpu.memory_space<vmem>>, vector<16xf32>,
      %get3A_134 = arith.index_cast %add3A_132 : i32 to index
      %get3A_135 = tpu.vector_load %arg18[%get3A_134] {strides = array<i32>} : memref<1536xf32, #tpu.memory_space<vmem>>, vector<16xf32>,
      %add3A_136 = arith.addf %get3A_133, %get3A_135 : vector<16xf32>
      %add3A_137 = arith.constant 1536 : i32
      %add3A_138 = arith.addi %add3A_137, %scan3A_130 : i32
      %swap3A = arith.index_cast %add3A_138 : i32 to index
      %swap3A_139 = tpu.vector_load %arg21[%swap3A] {strides = array<i32>} : memref<2048xf32, #tpu.memory_space<vmem>>, vector<16xf32>,
      tpu.vector_store %arg21[%swap3A], %add3A_136 {strides = array<i32>} : memref<2048xf32, #tpu.memory_space<vmem>>, vector<16xf32>,
      %add3A_140 = arith.constant 1280 : i32
      %add3A_141 = arith.addi %add3A_140, %scan3A_130 : i32
      %get3A_142 = arith.index_cast %add3A_141 : i32 to index
      %get3A_143 = tpu.vector_load %arg17[%get3A_142] {strides = array<i32>} : memref<1536xf32, #tpu.memory_space<vmem>>, vector<16xf32>,
      %get3A_144 = arith.index_cast %add3A_141 : i32 to index
      %get3A_145 = tpu.vector_load %arg18[%get3A_144] {strides = array<i32>} : memref<1536xf32, #tpu.memory_space<vmem>>, vector<16xf32>,
      %add3A_146 = arith.addf %get3A_143, %get3A_145 : vector<16xf32>
      %add3A_147 = arith.constant 1664 : i32
      %add3A_148 = arith.addi %add3A_147, %scan3A_130 : i32
      %swap3A_149 = arith.index_cast %add3A_148 : i32 to index
      %swap3A_150 = tpu.vector_load %arg21[%swap3A_149] {strides = array<i32>} : memref<2048xf32, #tpu.memory_space<vmem>>, vector<16xf32>,
      tpu.vector_store %arg21[%swap3A_149], %add3A_146 {strides = array<i32>} : memref<2048xf32, #tpu.memory_space<vmem>>, vector<16xf32>,
      %add3A_151 = arith.constant 1408 : i32
      %add3A_152 = arith.addi %add3A_151, %scan3A_130 : i32
      %get3A_153 = arith.index_cast %add3A_152 : i32 to index
      %get3A_154 = tpu.vector_load %arg17[%get3A_153] {strides = array<i32>} : memref<1536xf32, #tpu.memory_space<vmem>>, vector<16xf32>,
      %get3A_155 = arith.index_cast %add3A_152 : i32 to index
      %get3A_156 = tpu.vector_load %arg18[%get3A_155] {strides = array<i32>} : memref<1536xf32, #tpu.memory_space<vmem>>, vector<16xf32>,
      %add3A_157 = arith.addf %get3A_154, %get3A_156 : vector<16xf32>
      %add3A_158 = arith.constant 1792 : i32
      %add3A_159 = arith.addi %add3A_158, %scan3A_130 : i32
      %swap3A_160 = arith.index_cast %add3A_159 : i32 to index
      %swap3A_161 = tpu.vector_load %arg21[%swap3A_160] {strides = array<i32>} : memref<2048xf32, #tpu.memory_space<vmem>>, vector<16xf32>,
      tpu.vector_store %arg21[%swap3A_160], %add3A_157 {strides = array<i32>} : memref<2048xf32, #tpu.memory_space<vmem>>, vector<16xf32>,
      %add3A_162 = arith.constant 1920 : i32
      %add3A_163 = arith.addi %add3A_162, %scan3A_130 : i32
      %swap3A_164 = arith.index_cast %add3A_163 : i32 to index
      %swap3A_165 = tpu.vector_load %arg21[%swap3A_164] {strides = array<i32>} : memref<2048xf32, #tpu.memory_space<vmem>>, vector<16xf32>,
      tpu.vector_store %arg21[%swap3A_164], %broadcast_in_dim3A_56 {strides = array<i32>} : memref<2048xf32, #tpu.memory_space<vmem>>, vector<16xf32>,
      %add3A_166 = arith.constant 16 : i32
      %add3A_167 = arith.addi %scan3A_130, %add3A_166 : i32
      scf.yield %add3A_167 : i32
    }
    %scan3A_108 = arith.constant 8 : i32
    %scan3A_109 = arith.constant 384 : i32
    %scan3A_110 = arith.constant 1536 : i32
    %scan3A_111 = arith.constant 0 : i32
    %scan3A_112 = arith.constant 8 : i32
    %scan3A_113 = arith.addi %scan3A_111, %scan3A_112 : i32
    %scan3A_114 = arith.constant 1 : i32
    %scan3A_115:2 = scf.for %scan3A_129 = %scan3A_111 to %scan3A_113 step %scan3A_114 iter_args(%scan3A_130 = %scan3A_109, %scan3A_131 = %scan3A_110) -> (i32, i32)  : i32 {
      %get3A = arith.index_cast %scan3A_130 : i32 to index
      %get3A_132 = tpu.vector_load %arg20[%get3A] {strides = array<i32>} : memref<512xf32, #tpu.memory_space<vmem>>, vector<16xf32>,
      %mul3A_133 = arith.constant 5.000000e-01 : f32
      %mul3A_134 = vector.broadcast %mul3A_133 : f32 to vector<16xf32>
      %mul3A_135 = arith.mulf %get3A_132, %mul3A_134 : vector<16xf32>
      %mul3A_136 = arith.mulf %mul3A_135, %mul3A_135 : vector<16xf32>
      %mul3A_137 = arith.constant 2.48015876E-5 : f32
      %mul3A_138 = vector.broadcast %mul3A_137 : f32 to vector<16xf32>
      %mul3A_139 = arith.mulf %mul3A_136, %mul3A_138 : vector<16xf32>
      %add3A_140 = arith.constant -0.00138888892 : f32
      %add3A_141 = vector.broadcast %add3A_140 : f32 to vector<16xf32>
      %add3A_142 = arith.addf %add3A_141, %mul3A_139 : vector<16xf32>
      %mul3A_143 = arith.mulf %mul3A_136, %add3A_142 : vector<16xf32>
      %add3A_144 = arith.constant 0.0416666679 : f32
      %add3A_145 = vector.broadcast %add3A_144 : f32 to vector<16xf32>
      %add3A_146 = arith.addf %add3A_145, %mul3A_143 : vector<16xf32>
      %mul3A_147 = arith.mulf %mul3A_136, %add3A_146 : vector<16xf32>
      %add3A_148 = arith.constant -5.000000e-01 : f32
      %add3A_149 = vector.broadcast %add3A_148 : f32 to vector<16xf32>
      %add3A_150 = arith.addf %add3A_149, %mul3A_147 : vector<16xf32>
      %mul3A_151 = arith.mulf %mul3A_136, %add3A_150 : vector<16xf32>
      %add3A_152 = arith.constant 1.000000e+00 : f32
      %add3A_153 = vector.broadcast %add3A_152 : f32 to vector<16xf32>
      %add3A_154 = arith.addf %add3A_153, %mul3A_151 : vector<16xf32>
      %mul3A_155 = arith.constant 2.75573188E-6 : f32
      %mul3A_156 = vector.broadcast %mul3A_155 : f32 to vector<16xf32>
      %mul3A_157 = arith.mulf %mul3A_136, %mul3A_156 : vector<16xf32>
      %add3A_158 = arith.constant -1.98412701E-4 : f32
      %add3A_159 = vector.broadcast %add3A_158 : f32 to vector<16xf32>
      %add3A_160 = arith.addf %add3A_159, %mul3A_157 : vector<16xf32>
      %mul3A_161 = arith.mulf %mul3A_136, %add3A_160 : vector<16xf32>
      %add3A_162 = arith.constant 0.00833333377 : f32
      %add3A_163 = vector.broadcast %add3A_162 : f32 to vector<16xf32>
      %add3A_164 = arith.addf %add3A_163, %mul3A_161 : vector<16xf32>
      %mul3A_165 = arith.mulf %mul3A_136, %add3A_164 : vector<16xf32>
      %add3A_166 = arith.constant -0.166666672 : f32
      %add3A_167 = vector.broadcast %add3A_166 : f32 to vector<16xf32>
      %add3A_168 = arith.addf %add3A_167, %mul3A_165 : vector<16xf32>
      %mul3A_169 = arith.mulf %mul3A_136, %add3A_168 : vector<16xf32>
      %add3A_170 = arith.constant 1.000000e+00 : f32
      %add3A_171 = vector.broadcast %add3A_170 : f32 to vector<16xf32>
      %add3A_172 = arith.addf %add3A_171, %mul3A_169 : vector<16xf32>
      %mul3A_173 = arith.mulf %mul3A_135, %add3A_172 : vector<16xf32>
      %get3A_174 = arith.index_cast %scan3A_131 : i32 to index
      %get3A_175 = tpu.vector_load %arg19[%get3A_174] {strides = array<i32>} : memref<2048xf32, #tpu.memory_space<vmem>>, vector<16xf32>,
      %add3A_176 = arith.constant 128 : i32
      %add3A_177 = arith.addi %scan3A_131, %add3A_176 : i32
      %get3A_178 = arith.index_cast %add3A_177 : i32 to index
      %get3A_179 = tpu.vector_load %arg19[%get3A_178] {strides = array<i32>} : memref<2048xf32, #tpu.memory_space<vmem>>, vector<16xf32>,
      %add3A_180 = arith.constant 256 : i32
      %add3A_181 = arith.addi %scan3A_131, %add3A_180 : i32
      %get3A_182 = arith.index_cast %add3A_181 : i32 to index
      %get3A_183 = tpu.vector_load %arg19[%get3A_182] {strides = array<i32>} : memref<2048xf32, #tpu.memory_space<vmem>>, vector<16xf32>,
      %add3A_184 = arith.constant 384 : i32
      %add3A_185 = arith.addi %scan3A_131, %add3A_184 : i32
      %get3A_186 = arith.index_cast %add3A_185 : i32 to index
      %get3A_187 = tpu.vector_load %arg19[%get3A_186] {strides = array<i32>} : memref<2048xf32, #tpu.memory_space<vmem>>, vector<16xf32>,
      %mul3A_188 = arith.mulf %get3A_175, %add3A_154 : vector<16xf32>
      %mul3A_189 = arith.mulf %get3A_187, %mul3A_173 : vector<16xf32>
      %sub3A = arith.subf %mul3A_188, %mul3A_189 : vector<16xf32>
      %swap3A = arith.index_cast %scan3A_131 : i32 to index
      %swap3A_190 = tpu.vector_load %arg22[%swap3A] {strides = array<i32>} : memref<2048xf32, #tpu.memory_space<vmem>>, vector<16xf32>,
      tpu.vector_store %arg22[%swap3A], %sub3A {strides = array<i32>} : memref<2048xf32, #tpu.memory_space<vmem>>, vector<16xf32>,
      %mul3A_191 = arith.mulf %get3A_179, %add3A_154 : vector<16xf32>
      %mul3A_192 = arith.mulf %get3A_183, %mul3A_173 : vector<16xf32>
      %add3A_193 = arith.addf %mul3A_191, %mul3A_192 : vector<16xf32>
      %add3A_194 = arith.constant 128 : i32
      %add3A_195 = arith.addi %scan3A_131, %add3A_194 : i32
      %swap3A_196 = arith.index_cast %add3A_195 : i32 to index
      %swap3A_197 = tpu.vector_load %arg22[%swap3A_196] {strides = array<i32>} : memref<2048xf32, #tpu.memory_space<vmem>>, vector<16xf32>,
      tpu.vector_store %arg22[%swap3A_196], %add3A_193 {strides = array<i32>} : memref<2048xf32, #tpu.memory_space<vmem>>, vector<16xf32>,
      %mul3A_198 = arith.mulf %get3A_183, %add3A_154 : vector<16xf32>
      %mul3A_199 = arith.mulf %get3A_179, %mul3A_173 : vector<16xf32>
      %sub3A_200 = arith.subf %mul3A_198, %mul3A_199 : vector<16xf32>
      %add3A_201 = arith.constant 256 : i32
      %add3A_202 = arith.addi %scan3A_131, %add3A_201 : i32
      %swap3A_203 = arith.index_cast %add3A_202 : i32 to index
      %swap3A_204 = tpu.vector_load %arg22[%swap3A_203] {strides = array<i32>} : memref<2048xf32, #tpu.memory_space<vmem>>, vector<16xf32>,
      tpu.vector_store %arg22[%swap3A_203], %sub3A_200 {strides = array<i32>} : memref<2048xf32, #tpu.memory_space<vmem>>, vector<16xf32>,
      %mul3A_205 = arith.mulf %get3A_187, %add3A_154 : vector<16xf32>
      %mul3A_206 = arith.mulf %get3A_175, %mul3A_173 : vector<16xf32>
      %add3A_207 = arith.addf %mul3A_205, %mul3A_206 : vector<16xf32>
      %add3A_208 = arith.constant 384 : i32
      %add3A_209 = arith.addi %scan3A_131, %add3A_208 : i32
      %swap3A_210 = arith.index_cast %add3A_209 : i32 to index
      %swap3A_211 = tpu.vector_load %arg22[%swap3A_210] {strides = array<i32>} : memref<2048xf32, #tpu.memory_space<vmem>>, vector<16xf32>,
      tpu.vector_store %arg22[%swap3A_210], %add3A_207 {strides = array<i32>} : memref<2048xf32, #tpu.memory_space<vmem>>, vector<16xf32>,
      %add3A_212 = arith.constant 16 : i32
      %add3A_213 = arith.addi %scan3A_130, %add3A_212 : i32
      %add3A_214 = arith.constant 16 : i32
      %add3A_215 = arith.addi %scan3A_131, %add3A_214 : i32
      scf.yield %add3A_213, %add3A_215 : i32, i32
    }
    %scan3A_116 = arith.constant 8 : i32
    %mul3A_117 = arith.constant 2048 : i32
    %mul3A_118 = arith.muli %add3A, %mul3A_117 : i32
    %dma_start3A_119 = tpu.memref_slice %arg9[%mul3A_118] : memref<65536xf32, #tpu.memory_space<hbm>> -> memref<2048xf32, #tpu.memory_space<hbm>>
    %dma_start3A_120 = tpu.memref_slice %arg9[%mul3A_118] : memref<65536xf32, #tpu.memory_space<hbm>> -> memref<2048xf32, #tpu.memory_space<hbm>>
    tpu.enqueue_dma source(%arg21 : memref<2048xf32, #tpu.memory_space<vmem>>) target(%dma_start3A_120 : memref<2048xf32, #tpu.memory_space<hbm>>) target_semaphore(%arg24 : memref<!tpu.dma_semaphore, #tpu.memory_space<semaphore_mem>>)
    %mul3A_121 = arith.constant 2048 : i32
    %mul3A_122 = arith.muli %add3A, %mul3A_121 : i32
    %dma_start3A_123 = tpu.memref_slice %arg10[%mul3A_122] : memref<65536xf32, #tpu.memory_space<hbm>> -> memref<2048xf32, #tpu.memory_space<hbm>>
    %dma_start3A_124 = tpu.memref_slice %arg10[%mul3A_122] : memref<65536xf32, #tpu.memory_space<hbm>> -> memref<2048xf32, #tpu.memory_space<hbm>>
    tpu.enqueue_dma source(%arg22 : memref<2048xf32, #tpu.memory_space<vmem>>) target(%dma_start3A_124 : memref<2048xf32, #tpu.memory_space<hbm>>) target_semaphore(%arg24 : memref<!tpu.dma_semaphore, #tpu.memory_space<semaphore_mem>>)
    %dma_wait3A_125 = tpu.memref_slice %arg9[%mul3A_118] : memref<65536xf32, #tpu.memory_space<hbm>> -> memref<2048xf32, #tpu.memory_space<hbm>>
    %dma_wait3A_126 = tpu.memref_slice %arg9[%mul3A_118] : memref<65536xf32, #tpu.memory_space<hbm>> -> memref<2048xf32, #tpu.memory_space<hbm>>
    tpu.wait_dma2 semaphore(%arg24 : memref<!tpu.dma_semaphore, #tpu.memory_space<semaphore_mem>>) src(%arg21 : memref<2048xf32, #tpu.memory_space<vmem>>) dst(%dma_wait3A_126 : memref<2048xf32, #tpu.memory_space<hbm>>)
    %dma_wait3A_127 = tpu.memref_slice %arg10[%mul3A_122] : memref<65536xf32, #tpu.memory_space<hbm>> -> memref<2048xf32, #tpu.memory_space<hbm>>
    %dma_wait3A_128 = tpu.memref_slice %arg10[%mul3A_122] : memref<65536xf32, #tpu.memory_space<hbm>> -> memref<2048xf32, #tpu.memory_space<hbm>>
    tpu.wait_dma2 semaphore(%arg24 : memref<!tpu.dma_semaphore, #tpu.memory_space<semaphore_mem>>) src(%arg22 : memref<2048xf32, #tpu.memory_space<vmem>>) dst(%dma_wait3A_128 : memref<2048xf32, #tpu.memory_space<hbm>>)
    return
  }
}

</mosaic_0001>

<sc_bundles>
// kernel: kernel.3.cloned.1.call-start
scs
__scs_entry_jumppad:
0x0: {  	(pc) =	sbr.rel $0x88, $3  }
0x1: {  	(tag) =	ssettag $0x0;
	lr =	simm.s32 $0x1  }
0x2: {  	[smem:$0x3F9A] =	sst lr;
	_ =	strace $0xD0000000  }
0x3: {  	_ = 	snop  }
0x4: {  	_ = 	snop  }
0x5: {  	_ = 	snop  }
0x6: {  	_ = 	snop  }
0x7: {  	_ = 	snop  }
__scs_overlays_trampoline_lowered:
0x8: {  	[smem:$0x3FA9] =	sst s0  }
0x9: {  	[smem:$0x3FAA] =	sst s1  }
0xa: {  	[smem:$0x3FAB] =	sst s2  }
0xb: {  	[smem:$0x3FAC] =	sst s3  }
0xc: {  	[smem:$0x3FAD] =	sst s4  }
0xd: {  	[smem:$0x3FAE] =	sst s5  }
0xe: {  	[smem:$0x3FAF] =	sst s6  }
0xf: {  	[smem:$0x3FB0] =	sst s7  }
0x10: {  	[smem:$0x3FB1] =	sst s8  }
0x11: {  	[smem:$0x3FB2] =	sst s9;
	s0 =	simm.s32 @!p0 $0x0  }
0x12: {  	s1 =	sld [smem:$0x3F98];
	s0 =	simm.s32 @p0 $0x1  }
0x13: {  	[smem:$0x3FB3] =	sst s0;
	s0 =	simm.s32 @!p1 $0x0  }
0x14: {  	s2 =	sld [smem:$0x3F97];
	s0 =	simm.s32 @p1 $0x1  }
0x15: {  	[smem:$0x3FB4] =	sst s0;
	s0 =	simm.s32 @!p2 $0x0  }
0x16: {  	s3 =	sld [smem:$0x3FDB];
	s0 =	simm.s32 @p2 $0x1  }
0x17: {  	s4 =	simm.s32 $0x1BF5;
	[smem:$0x3FB6] =	sst s0  }
0x18: {  	s0 =	sld [smem:$0x3F99];
	_ =	swait.ge [sflag:s4], $0x0  }
0x19: {  	s7 =	sld [smem:$0x3F9A]  }
0x1a: {  	s8 =	sadd.s32 $0xFFFFE003, lr  }
0x1b: {  	s9 =	sadd.s32 $0xFFFFFEF7, lr;
	s5 =	simm.s32 $0xFFFFFFFF;
	p2 =	slt.u32 s8, $0xFFFFF086  }
0x1c: {  	p1 =	slt.u32 s9, $0xF7A;
	s5 =	simm.s32 @!p2 $0x0  }
0x1d: {  	s5 =	simm.s32 @p1 $0x1;
	p0 =	seq.s32 s7, s2  }
0x1e: {  	s7 =	smul.u32 @!p0 $0xF7A, s2;
	p2 =	seq.s32 @!p0 s5, $0x0  }
0x1f: {  	s9 =	smul.u32 $0xF7A, s1;
	s8 =	simm.s32 @!p0 $0x1BF5;
	p2 =	por !p2, p0  }
0x20: {  	[sflag:s8] =	ssyncset.s32 @!p0 $0xFFFFF086;
	s6 =	sadd.s32 @!p0 s3, s7;
	s7 =	simm.s32 @!p0 $0x108  }
0x21: {  	s3 =	sadd.s32 s3, s9;
	s6 =	sadd.s32 @!p0 $0x88, s6;
	s7 =	simm.s32 @p2 $0x1082  }
0x22: {  	[simem:s7], [sflag:s8] =	dma.local @!p0 [hbm:s6], $0xF7A  }
0x23: {  	s9 =	sor.u32 $0xD0000000, s2;
	s6 =	simm.s32 $0x108;
	_ =	swait.ge @!p0 [sflag:s8], $0x0  }
0x24: {  	s3 =	sadd.s32 $0x88, s3;
	s6 =	simm.s32 @!p1 $0x1082;
	[sflag:s4] =	ssyncset.s32 $0xFFFFF086  }
0x25: {  	[simem:s6], [sflag:s4] =	dma.local [hbm:s3], $0xF7A  }
0x26: {  	[smem:$0x3F9A] =	sst s1;
	(tag) =	ssettag s2;
	_ =	strace s9  }
0x27: {  	s1 =	sld [smem:$0x3FAA]  }
0x28: {  	s2 =	sld [smem:$0x3FAB]  }
0x29: {  	s4 =	sld [smem:$0x3FAD]  }
0x2a: {  	p0 =	seq.s32 s5, $0x0;
	s5 =	sld [smem:$0x3FAE]  }
0x2b: {  	s6 =	sld [smem:$0x3FAF]  }
0x2c: {  	s7 =	sld [smem:$0x3FB0]  }
0x2d: {  	s3 =	simm.s32 $0x108;
	s8 =	sld [smem:$0x3FB1]  }
0x2e: {  	s3 =	simm.s32 @!p0 $0x1082;
	s9 =	sld [smem:$0x3FB2]  }
0x2f: {  	lr =	sadd.s32 s0, s3;
	s0 =	sld [smem:$0x3FA9]  }
0x30: {  	s3 =	sld [smem:$0x3FAC]  }
0x31: {  	[smem:$0x3FB5] =	sst s10  }
0x32: {  	s10 =	sld [smem:$0x3FB3];
	_ =	sdelay $0x3  }
0x33: {  	p0 =	seq.s32 s10, $0x1;
	s10 =	sld [smem:$0x3FB5];
	_ =	sdelay $0x3  }
0x34: {  	[smem:$0x3FB5] =	sst s10  }
0x35: {  	s10 =	sld [smem:$0x3FB4];
	_ =	sdelay $0x3  }
0x36: {  	p1 =	seq.s32 s10, $0x1;
	s10 =	sld [smem:$0x3FB5];
	_ =	sdelay $0x3  }
0x37: {  	[smem:$0x3FB5] =	sst s10  }
0x38: {  	s10 =	sld [smem:$0x3FB6]  }
0x39: {  	_ = 	snop;
	(pc) =	sbr.ind lr, $3  }
0x3a: {  	_ = 	snop  }
0x3b: {  	_ = 	snop  }
0x3c: {  	p2 =	seq.s32 s10, $0x1;
	s10 =	sld [smem:$0x3FB5]  }
0x3d: {  	_ =	shalt  }
0x3e: {  	_ =	shalt  }
0x3f: {  	_ =	shalt  }
0x40: {  	_ =	shalt  }
0x41: {  	_ =	shalt  }
0x42: {  	_ =	shalt  }
0x43: {  	_ =	shalt  }
0x44: {  	_ =	shalt  }
0x45: {  	_ =	shalt  }
0x46: {  	_ =	shalt  }
0x47: {  	_ =	shalt  }
0x48: {  	_ =	shalt  }
0x49: {  	_ =	shalt  }
0x4a: {  	_ =	shalt  }
0x4b: {  	_ =	shalt  }
0x4c: {  	_ =	shalt  }
0x4d: {  	_ =	shalt  }
0x4e: {  	_ =	shalt  }
0x4f: {  	_ =	shalt  }
0x50: {  	_ =	shalt  }
0x51: {  	_ =	shalt  }
0x52: {  	_ =	shalt  }
0x53: {  	_ =	shalt  }
0x54: {  	_ =	shalt  }
0x55: {  	_ =	shalt  }
0x56: {  	_ =	shalt  }
0x57: {  	_ =	shalt  }
0x58: {  	_ =	shalt  }
0x59: {  	_ =	shalt  }
0x5a: {  	_ =	shalt  }
0x5b: {  	_ =	shalt  }
0x5c: {  	_ =	shalt  }
0x5d: {  	_ =	shalt  }
0x5e: {  	_ =	shalt  }
0x5f: {  	_ =	shalt  }
0x60: {  	_ =	shalt  }
0x61: {  	_ =	shalt  }
0x62: {  	_ =	shalt  }
0x63: {  	_ =	shalt  }
0x64: {  	_ =	shalt  }
0x65: {  	_ =	shalt  }
0x66: {  	_ =	shalt  }
0x67: {  	_ =	shalt  }
0x68: {  	_ =	shalt  }
0x69: {  	_ =	shalt  }
0x6a: {  	_ =	shalt  }
0x6b: {  	_ =	shalt  }
0x6c: {  	_ =	shalt  }
0x6d: {  	_ =	shalt  }
0x6e: {  	_ =	shalt  }
0x6f: {  	_ =	shalt  }
0x70: {  	_ =	shalt  }
0x71: {  	_ =	shalt  }
0x72: {  	_ =	shalt  }
0x73: {  	_ =	shalt  }
0x74: {  	_ =	shalt  }
0x75: {  	_ =	shalt  }
0x76: {  	_ =	shalt  }
0x77: {  	_ =	shalt  }
0x78: {  	_ =	shalt  }
0x79: {  	_ =	shalt  }
0x7a: {  	_ =	shalt  }
0x7b: {  	_ =	shalt  }
0x7c: {  	_ =	shalt  }
0x7d: {  	_ =	shalt  }
0x7e: {  	_ =	shalt  }
0x7f: {  	_ =	shalt  }
0x80: {  	_ =	shalt  }
0x81: {  	_ =	shalt  }
0x82: {  	_ =	shalt  }
0x83: {  	_ =	shalt  }
0x84: {  	_ =	shalt  }
0x85: {  	_ =	shalt  }
0x86: {  	_ =	shalt  }
0x87: {  	_ =	shalt  }
.Lfunc_end0:
.L_simem_size_0:
called_computation_lowered:
.L_overlay_start_0:
0x88: {  	s2 =	sld [smem:$0x3FD9]  }
0x89: {  	s3 =	sld [smem:$0x3FFE];
	_ =	sdelay $0x1  }
0x8a: {  	s1 =	srdreg.scid  }
0x8b: {  	s0 =	sand.u32 $0x1, s1  }
0x8c: {  	s15 =	sshll.u32 s0, $0xA;
	s2 =	sadd.s32 s3, s2  }
0x8d: {  	s2 =	sadd.s32 s2, s15  }
0x8e: {  	[smem:$0x3FC1] =	sst s2  }
0x8f: {  	_ = 	snop  }
0x90: {  	s2 =	sld [smem:$0x3FC9]  }
0x91: {  	s16 =	sld [smem:$0x3FC8]  }
0x92: {  	s4 =	sld [smem:$0x3FC7]  }
0x93: {  	s5 =	sld [smem:$0x3FC6]  }
0x94: {  	s6 =	sld [smem:$0x3FD0]  }
0x95: {  	s7 =	sld [smem:$0x3FC5]  }
0x96: {  	s8 =	sld [smem:$0x3FC4]  }
0x97: {  	s10 =	simm.s32 $0xA;
	s11 =	simm.s32 $0x10;
	s9 =	sld [smem:$0x3FC3]  }
0x98: {  	[smem:s11], [sflag:s10] =	dma.local [hbm:s6], $0x1  }
0x99: {  	_ =	swait.eq [sflag:s10], $0x1  }
0x9a: {  	[sflag:s10] =	ssyncset.done $0x0  }
0x9b: {  	s17 =	sld [smem:$0x10];
	[sflag:s10] =	ssyncadd.s32 $0xFFFFFFFF  }
0x9c: {  	s18 =	sld [smem:$0x11];
	(tm) =	ssettm $0x1  }
0x9d: {  	s19 =	sld [smem:$0x3FFB];
	_ =	sdelay $0x3  }
0x9e: {  	_ =	strace s19  }
0x9f: {  	s11 =	sld [smem:$0x3FFC];
	_ =	sdelay $0x3  }
0xa0: {  	_ =	strace s11  }
0xa1: {  	s11 =	sld [smem:$0x3FFD];
	_ =	sdelay $0x3  }
0xa2: {  	_ =	strace s11  }
0xa3: {  	_ =	strace $0x8FFFFFFF  }
0xa4: {  	s20 =	sld [smem:$0x3FDB];
	_ =	sdelay $0x1  }
0xa5: {  	s12 =	simm.s32 $_scs_section_size  }
0xa6: {  	s13 =	simm.s32 $_size__tile_overlayer_lowered;
	s14 =	simm.s32 $_tile_overlayer_lowered  }
0xa7: {  	s23 =	simm.s32 $0x1BFF;
	s22 =	sshll.u32 s14, $0x1;
	s11 =	sadd.s32 s12, s20  }
0xa8: {  	s21 =	sshll.u32 s13, $0x1;
	s15 =	simm.s32 $0x0;
	s13 =	sadd.s32 s22, s11  }
0xa9: {  	[timem:s15], [sflag:s23] =	dma.local [hbm:s13], s21  }
0xaa: {  	_ =	swait.ge [sflag:s23], s21  }
0xab: {  	s12 =	ssub.s32 $0x0, s21;
	[sflag:s23] =	ssyncset.done $0x0  }
0xac: {  	[sflag:s23] =	ssyncadd.s32 s12;
	_ =	sdelay $0x1  }
0xad: {  	s24 =	simm.s32 $0x1B8B  }
0xae: {  	_ =	swait.ge [sflag:s24], $0x1  }
0xaf: {  	[sflag:s24] =	ssyncset.done $0x0  }
0xb0: {  	s25 =	simm.s32 $0x1B8E;
	[sflag:s24] =	ssyncadd.s32 $0xFFFFFFFF  }
0xb1: {  	s26 =	simm.s32 $execute0_lowered;
	[smem:$0x3FD2] =	sst s25  }
0xb2: {  	s12 =	sshll.u32 s26, $0x1;
	_ =	strace $0x80000046;
	[dreg:$0x1] =	wrdreg $0xFFFFFFFF  }
0xb3: {  	s28 =	simm.s32 $_size_execute0_lowered;
	s11 =	sadd.s32 s11, s12;
	[dreg:$0x0] =	wrdreg $0x0  }
0xb4: {  	s12 =	sshll.u32 s28, $0x1;
	[dreg:$0x2] =	wrdreg s11  }
0xb5: {  	[dreg:$0x3] =	wrdreg s12  }
0xb6: {  	[dreg:$0x4] =	wrdreg $0xC0  }
0xb7: {  	_ =	task [dreg:s15], $0x5FFFF  }
0xb8: {  	[dreg:$0x1] =	wrdreg $0xFFFFFFFF  }
0xb9: {  	[dreg:$0x0] =	wrdreg $0x60  }
0xba: {  	[dreg:$0x2] =	wrdreg s2  }
0xbb: {  	[dreg:$0x3] =	wrdreg s16  }
0xbc: {  	[dreg:$0x4] =	wrdreg s4  }
0xbd: {  	[dreg:$0x5] =	wrdreg s5  }
0xbe: {  	[dreg:$0x6] =	wrdreg s7  }
0xbf: {  	[dreg:$0x7] =	wrdreg s8  }
0xc0: {  	[dreg:$0x8] =	wrdreg s9  }
0xc1: {  	[dreg:$0x9] =	wrdreg s17  }
0xc2: {  	[dreg:$0xa] =	wrdreg s18  }
0xc3: {  	[dreg:$0xb] =	wrdreg $0x9  }
0xc4: {  	_ =	task.clear_ibuf [dreg:s15], $0xCFFFF;
	_ =	strace $0x90000046  }
0xc5: {  	s29 =	simm.s32 $0x9;
	_ =	strace $0x80000048  }
0xc6: {  	_ =	swait.ge [sflag:s29], $0x1  }
0xc7: {  	[sflag:s29] =	ssyncadd.s32 $0xFFFFFFFF  }
0xc8: {  	_ =	strace $0x90000048  }
0xc9: {  	_ =	sfence  }
0xca: {  	s30 =	sld [smem:$0x0];
	_ =	sdelay $0x2  }
0xcb: {  	s31 =	sshll.u32 s1, $0xD;
	s1 =	sshrl.u32 s1, $0x2  }
0xcc: {  	s3 =	sand.u32 $0x4000, s31;
	s1 =	sadd.s32 s1, s30  }
0xcd: {  	s0 =	sor.u32 s3, s0;
	s1 =	sshll.u32 s1, $0x11  }
0xce: {  	s0 =	sor.u32 s1, s0  }
0xcf: {  	s0 =	sadd.s32 $0x8F2B, s0  }
0xd0: {  	[sflag:s0] =	ssyncadd.remote.s32 $0x1  }
0xd1: {  	_ =	sfence.sel $0xFFFF  }
0xd2: {  	[dreg:$0x0] =	wrdreg $0xFFFFFFFF;
	(pc) =	sbr.abs _section_cstart, $3  }
0xd3: {  	[dreg:$0x1] =	wrdreg $0xFFFFFFFF  }
0xd4: {  	_ =	task.clear_ibuf [dreg:s15], $0x2FFFF;
	_ =	strace $0x9FFFFFFF  }
0xd5: {  	(tm) =	ssettm $0x7FFFFFFF  }
tec
execute0_lowered:
.L_overlay_start_1:
0x0: {  	(tag) =	ssettag $0x1  }
0x1: {  	s0 =	rddreg [dreg:$0x0]  }
0x2: {  	s1 =	rddreg [dreg:$0x1]  }
0x3: {  	s2 =	rddreg [dreg:$0x2]  }
0x4: {  	s3 =	rddreg [dreg:$0x3]  }
0x5: {  	s4 =	rddreg [dreg:$0x4]  }
0x6: {  	s8 =	rddreg [dreg:$0x5]  }
0x7: {  	s9 =	rddreg [dreg:$0x6]  }
0x8: {  	s10 =	rddreg [dreg:$0x7]  }
0x9: {  	s11 =	rddreg [dreg:$0x8]  }
0xa: {  	s6 =	srdreg.scid;
	s5 =	stileid.u32;
	s15 =	simm.s32 $0x1  }
0xb: {  	s16 =	simm.s32 $0x600;
	s17 =	simm.s32 $0x800;
	s18 =	simm.s32 $0x1600  }
0xc: {  	s19 =	simm.s32 $0x1C00;
	s20 =	simm.s32 $0xE00;
	s21 =	simm.s32 $0x2200  }
0xd: {  	s22 =	simm.s32 $0x2A00;
	s23 =	simm.s32 $0x2C00;
	s24 =	simm.s32 $0x3400  }
0xe: {  	s25 =	simm.s32 $0x2;
	s26 =	simm.s32 $0x0;
	s7 =	sand.u32 $0x1, s6  }
0xf: {  	s6 =	simm.s32 $0x0;
	s13 =	sshll.u32 s5, $0x1;
	s12 =	ssub.s32 $0x2, s7  }
0x10: {  	[smem:$0x7FF] =	sst s6;
	s13 =	sor.u32 s7, s13;
	s14 =	sshrl.u32 s12, $0x1  }
0x11: {  	_ =	strace $0x80000047;
	s30 =	sshll.u32 s13, $0x6;
	s31 =	sshll.u32 s13, $0x8  }
0x12: {  	s13 =	simm.s32 $0x200;
	s12 =	ssub.s32 s12, s14;
	s7 =	sadd.s32 s4, s30  }
0x13: {  	s8 =	sadd.s32 s8, s30;
	s9 =	sadd.s32 s9, s30;
	s10 =	sadd.s32 s10, s31  }
0x14: {  	v0 =	vimm.f32 $0.0e+00;
	s11 =	sadd.s32 s11, s31;
	s14 =	simm.s32 $0x400;
	s12 =	smax.u32 s12, $0x1  }
.LBB2_1:
0x15: {  	[tilespmem:s6], [sflag:$0x1] =	stream.linear.gather [hbm4b:s7+s6], $0x200, $0x38;
	[tilespmem:$0x3C00] =	vst v63  }
0x16: {  	_ = 	snop  }
0x17: {  	[tilespmem:s13], [sflag:$0x1] =	stream.linear.gather [hbm4b:s8+s6], $0x200, $0x38;
	[tilespmem:$0x3C00] =	vst v63  }
0x18: {  	_ = 	snop  }
0x19: {  	[tilespmem:s14], [sflag:$0x1] =	stream.linear.gather [hbm4b:s9+s6], $0x200, $0x38;
	[tilespmem:$0x3C00] =	vst v63  }
0x1a: {  	_ =	swait.ge [sflag:s15], $0x200  }
0x1b: {  	[sflag:s15] =	ssyncset.done $0x0  }
0x1c: {  	[sflag:s15] =	ssyncadd.s32 $0xFFFFFE00  }
0x1d: {  	_ =	swait.ge [sflag:s15], $0x200  }
0x1e: {  	[sflag:s15] =	ssyncset.done $0x0  }
0x1f: {  	[sflag:s15] =	ssyncadd.s32 $0xFFFFFE00  }
0x20: {  	_ =	swait.ge [sflag:s15], $0x200  }
0x21: {  	[sflag:s15] =	ssyncset.done $0x0  }
0x22: {  	s29 =	simm.s32 $0x0;
	[sflag:s15] =	ssyncadd.s32 $0xFFFFFE00  }
0x23: {  	v1 =	vld [tilespmem:s29+$0x0]  }
0x24: {  	v3 =	vld [tilespmem:s29+$0x400]  }
0x25: {  	v2 =	vld [tilespmem:s29+$0x200];
	_ =	sdelay $0x2  }
0x26: {  	v4 =	vmul.u32 $0x3E8, v1  }
0x27: {  	v5 =	vmul.u32 $0xBB800, v1  }
0x28: {  	v6 =	vshrl.u32 v3, $0x7;
	v1 =	vshll.u32 v2, $0x8;
	v4 =	vadd.s32 v2, v4  }
0x29: {  	s28 =	simm.s32 $0x10;
	v7 =	vand.u32 $0xFFFFF800, v1;
	v8 =	vshll.u32 v6, $0x9;
	v1 =	vshll.u32 v4, $0xA  }
0x2a: {  	v9 =	vld [tilespmem:s28+$0x0];
	v10 =	vand.u32 $0x7F, v3;
	v2 =	vshll.u32 v2, $0x7;
	v8 =	vadd.s32 v1, v8  }
0x2b: {  	v5 =	vadd.s32 v5, v7;
	v7 =	vand.u32 $0x380, v2;
	v2 =	vld [tilespmem:s28+$0x200];
	v8 =	vor.u32 v10, v8  }
0x2c: {  	v1 =	vld [tilespmem:s28+$0x400];
	v5 =	vor.u32 v7, v5;
	[tilespmem:s29+$0xE00] =	vst v8;
	v7 =	vor.u32 $0x180, v8  }
0x2d: {  	v6 =	vshll.u32 v6, $0xA;
	v5 =	vor.u32 v10, v5;
	v10 =	vor.u32 $0x80, v8;
	[tilespmem:s29+$0xF80] =	vst v7  }
0x2e: {  	v11 =	vadd.s32 v6, v5;
	v5 =	vor.u32 $0x100, v8;
	[tilespmem:s29+$0xE80] =	vst v10  }
0x2f: {  	v4 =	vshll.u32 v4, $0x8;
	v7 =	vmul.u32 $0x3E8, v9;
	v8 =	vadd.s32 $0x3E800, v11;
	[tilespmem:s29+$0xF00] =	vst v5  }
0x30: {  	v6 =	vadd.s32 v3, v4;
	v4 =	vmul.u32 $0xBB800, v9;
	[tilespmem:s29+$0x880] =	vst v8;
	v8 =	vadd.s32 $0x7D000, v11  }
0x31: {  	[tilespmem:s29+$0x800] =	vst v11;
	v5 =	vshrl.u32 v1, $0x7;
	v3 =	vadd.s32 v2, v7;
	v7 =	vshll.u32 v2, $0x8  }
0x32: {  	s30 =	simm.s32 $0x20;
	s4 =	simm.s32 $0xC0;
	[tilespmem:s29+$0x900] =	vst v8;
	v7 =	vand.u32 $0xFFFFF800, v7;
	v8 =	vshll.u32 v3, $0xA;
	v9 =	vshll.u32 v5, $0x9  }
.LBB2_2:
0x33: {  	p0 =	sne.s32 s4, $0x1C0;
	v10 =	vld [tilespmem:s30+$0x0];
	v11 =	vand.u32 $0x7F, v1;
	v2 =	vshll.u32 v2, $0x7;
	v8 =	vadd.s32 v8, v9;
	[tilespmem:s29+$0x600] =	vst v6;
	s29 =	smov.u32 s28;
	s28 =	smov.u32 s30  }
0x34: {  	v4 =	vadd.s32 v4, v7;
	v9 =	vld [tilespmem:s28+$0x400];
	v6 =	vand.u32 $0x380, v2;
	v7 =	vor.u32 v11, v8  }
0x35: {  	v5 =	vshll.u32 v5, $0xA;
	v2 =	vld [tilespmem:s28+$0x200];
	v4 =	vor.u32 v6, v4;
	[tilespmem:s29+$0xE00] =	vst v7;
	v6 =	vor.u32 $0x180, v7  }
0x36: {  	v3 =	vshll.u32 v3, $0x8;
	v8 =	vor.u32 $0x80, v7;
	v4 =	vor.u32 v11, v4;
	[tilespmem:s29+$0xF80] =	vst v6  }
.Ltmp0:
0x37: {  	v6 =	vadd.s32 v1, v3;
	v11 =	vadd.s32 v5, v4;
	[tilespmem:s29+$0xE80] =	vst v8;
	v5 =	vor.u32 $0x100, v7;
	(pc) =	sbr.rel @p0 .LBB2_2-.Ltmp0, $4  }
0x38: {  	v3 =	vmul.u32 $0x3E8, v10;
	v4 =	vmul.u32 $0xBB800, v10;
	v8 =	vadd.s32 $0x3E800, v11;
	[tilespmem:s29+$0xF00] =	vst v5  }
0x39: {  	v7 =	vadd.s32 $0x7D000, v11;
	[tilespmem:s29+$0x880] =	vst v8;
	v1 =	vmov v9  }
0x3a: {  	v5 =	vshrl.u32 v1, $0x7;
	v3 =	vadd.s32 v2, v3;
	v8 =	vshll.u32 v2, $0x8;
	[tilespmem:s29+$0x900] =	vst v7  }
0x3b: {  	s30 =	sshra.s32 s4, $0x2;
	s4 =	sadd.s32 $0x40, s4;
	v7 =	vand.u32 $0xFFFFF800, v8;
	v8 =	vshll.u32 v3, $0xA;
	v9 =	vshll.u32 v5, $0x9;
	[tilespmem:s29+$0x800] =	vst v11  }
0x3c: {  	v10 =	vld [tilespmem:s30+$0x0];
	v11 =	vand.u32 $0x7F, v1;
	[tilespmem:s29+$0x600] =	vst v6  }
0x3d: {  	v2 =	vshll.u32 v2, $0x7;
	v6 =	vadd.s32 v8, v9;
	v4 =	vadd.s32 v4, v7;
	v8 =	vld [tilespmem:s30+$0x400]  }
0x3e: {  	v3 =	vshll.u32 v3, $0x8;
	v2 =	vand.u32 $0x380, v2;
	v6 =	vor.u32 v11, v6;
	v7 =	vld [tilespmem:s30+$0x200]  }
0x3f: {  	v2 =	vor.u32 v2, v4;
	v4 =	vshll.u32 v5, $0xA;
	[tilespmem:s28+$0xE00] =	vst v6;
	v5 =	vor.u32 $0x180, v6  }
0x40: {  	v1 =	vadd.s32 v1, v3;
	v9 =	vor.u32 $0x80, v6;
	v2 =	vor.u32 v11, v2;
	[tilespmem:s28+$0xF80] =	vst v5  }
0x41: {  	[tilespmem:s28+$0xE80] =	vst v9;
	v2 =	vadd.s32 v4, v2;
	v4 =	vor.u32 $0x100, v6;
	v3 =	vmul.u32 $0x3E8, v10  }
0x42: {  	v5 =	vmul.u32 $0xBB800, v10;
	v6 =	vadd.s32 $0x3E800, v2;
	[tilespmem:s28+$0xF00] =	vst v4;
	v4 =	vadd.s32 $0x7D000, v2  }
0x43: {  	[tilespmem:s28+$0x880] =	vst v6;
	v6 =	vshrl.u32 v8, $0x7;
	v9 =	vshll.u32 v7, $0x8;
	v3 =	vadd.s32 v7, v3  }
0x44: {  	[tilespmem:s28+$0x900] =	vst v4;
	v4 =	vand.u32 $0xFFFFF800, v9;
	v10 =	vshll.u32 v6, $0x9;
	v9 =	vshll.u32 v3, $0xA  }
0x45: {  	[tilespmem:s28+$0x800] =	vst v2;
	v2 =	vand.u32 $0x7F, v8;
	v7 =	vshll.u32 v7, $0x7;
	v9 =	vadd.s32 v9, v10  }
0x46: {  	[tilespmem:s28+$0x600] =	vst v1;
	v1 =	vadd.s32 v5, v4;
	v4 =	vand.u32 $0x380, v7;
	v5 =	vor.u32 v2, v9  }
0x47: {  	v1 =	vor.u32 v4, v1;
	[tilespmem:s30+$0xE00] =	vst v5;
	v4 =	vor.u32 $0x180, v5  }
0x48: {  	v6 =	vshll.u32 v6, $0xA;
	v1 =	vor.u32 v2, v1;
	v2 =	vor.u32 $0x80, v5;
	[tilespmem:s30+$0xF80] =	vst v4  }
0x49: {  	p1 =	por $0x1, $0x1;
	v1 =	vadd.s32 v6, v1;
	[tilespmem:s30+$0xE80] =	vst v2  }
.Ltmp1:
0x4a: {  	v2 =	vor.u32 $0x100, v5;
	[tilespmem:s30+$0x800] =	vst v1;
	(pc) =	sbr.rel @!p1 .LBB2_10-.Ltmp1, $4  }
0x4b: {  	v4 =	vadd.s32 $0x3E800, v1;
	[tilespmem:s30+$0xF00] =	vst v2  }
0x4c: {  	v3 =	vshll.u32 v3, $0x8;
	[tilespmem:s30+$0x880] =	vst v4;
	v2 =	vadd.s32 $0x7D000, v1  }
0x4d: {  	p2 =	por $0x0, $0x0;
	p0 =	por $0x0, $0x0;
	[tilespmem:s30+$0x900] =	vst v2;
	v2 =	vadd.s32 v8, v3  }
0x4e: {  	p3 =	por $0x0, $0x0;
	s28 =	simm.s32 $0x0;
	[tilespmem:s30+$0x600] =	vst v2;
	s30 =	simm.s32 $0x0  }
0x4f: {  	v2 =	vld [tilespmem:s28+$0x80]  }
0x50: {  	v5 =	vld [tilespmem:s28+$0x480]  }
0x51: {  	v1 =	vld [tilespmem:s28+$0x280]  }
0x52: {  	p3 =	por $0x1, $0x1  }
.Ltmp2:
0x53: {  	_ = 	snop;
	(pc) =	sbr.rel @!p3 .LBB2_5-.Ltmp2, $4  }
0x54: {  	v6 =	vmul.u32 $0x3E8, v2  }
0x55: {  	v4 =	vmul.u32 $0xBB800, v2  }
0x56: {  	v3 =	vshrl.u32 v5, $0x7;
	v2 =	vadd.s32 v1, v6;
	v6 =	vshll.u32 v1, $0x8  }
0x57: {  	s29 =	simm.s32 $0x10;
	p2 =	por $0x1, $0x1;
	v10 =	vshll.u32 v3, $0x9;
	v8 =	vand.u32 $0xFFFFF800, v6;
	v9 =	vshll.u32 v2, $0xA  }
0x58: {  	v11 =	vld [tilespmem:s29+$0x80];
	v7 =	vand.u32 $0x7F, v5;
	v1 =	vshll.u32 v1, $0x7;
	v9 =	vadd.s32 v9, v10  }
0x59: {  	v6 =	vld [tilespmem:s29+$0x480];
	v4 =	vadd.s32 v4, v8;
	v8 =	vand.u32 $0x380, v1;
	v9 =	vor.u32 v7, v9  }
0x5a: {  	v1 =	vld [tilespmem:s29+$0x280];
	v4 =	vor.u32 v8, v4;
	[tilespmem:s28+$0x1000] =	vst v9;
	v8 =	vor.u32 $0x180, v9  }
0x5b: {  	v3 =	vshll.u32 v3, $0xA;
	p4 =	por $0x1, $0x1;
	v4 =	vor.u32 v7, v4;
	v7 =	vor.u32 $0x80, v9;
	[tilespmem:s28+$0x1180] =	vst v8  }
.Ltmp3:
0x5c: {  	v2 =	vshll.u32 v2, $0x8;
	v12 =	vadd.s32 v3, v4;
	[tilespmem:s28+$0x1080] =	vst v7;
	v3 =	vor.u32 $0x100, v9;
	(pc) =	sbr.rel @!p4 .LBB2_7-.Ltmp3, $4  }
0x5d: {  	v7 =	vadd.s32 v5, v2;
	v8 =	vmul.u32 $0x3E8, v11;
	[tilespmem:s28+$0x1100] =	vst v3  }
0x5e: {  	v9 =	vadd.s32 $0x3E800, v12;
	v4 =	vmul.u32 $0xBB800, v11;
	v5 =	vadd.s32 $0x7D000, v12;
	[tilespmem:s28+$0x980] =	vst v12  }
0x5f: {  	s30 =	simm.s32 $0x20;
	v3 =	vshrl.u32 v6, $0x7;
	[tilespmem:s28+$0xA00] =	vst v9;
	v2 =	vadd.s32 v1, v8;
	v8 =	vshll.u32 v1, $0x8  }
0x60: {  	s4 =	simm.s32 $0xC0;
	p3 =	por $0x1, $0x1;
	s31 =	simm.s32 $0x0;
	[tilespmem:s28+$0xA80] =	vst v5;
	v10 =	vshll.u32 v3, $0x9;
	v8 =	vand.u32 $0xFFFFF800, v8;
	v9 =	vshll.u32 v2, $0xA  }
.LBB2_8:
0x61: {  	p4 =	sne.s32 s4, $0x1C0;
	v5 =	vld [tilespmem:s30+$0x80];
	v11 =	vand.u32 $0x7F, v6;
	v1 =	vshll.u32 v1, $0x7;
	v9 =	vadd.s32 v9, v10;
	[tilespmem:s31+$0x680] =	vst v7;
	s31 =	smov.u32 s29;
	s29 =	smov.u32 s30  }
0x62: {  	v4 =	vadd.s32 v4, v8;
	v10 =	vld [tilespmem:s29+$0x480];
	v7 =	vand.u32 $0x380, v1;
	v8 =	vor.u32 v11, v9  }
0x63: {  	v3 =	vshll.u32 v3, $0xA;
	v1 =	vld [tilespmem:s29+$0x280];
	v4 =	vor.u32 v7, v4;
	[tilespmem:s31+$0x1000] =	vst v8;
	v7 =	vor.u32 $0x180, v8  }
0x64: {  	v2 =	vshll.u32 v2, $0x8;
	v9 =	vor.u32 $0x80, v8;
	v4 =	vor.u32 v11, v4;
	[tilespmem:s31+$0x1180] =	vst v7  }
.Ltmp4:
0x65: {  	v7 =	vadd.s32 v6, v2;
	v11 =	vadd.s32 v3, v4;
	[tilespmem:s31+$0x1080] =	vst v9;
	v3 =	vor.u32 $0x100, v8;
	(pc) =	sbr.rel @p4 .LBB2_8-.Ltmp4, $4  }
0x66: {  	v2 =	vmul.u32 $0x3E8, v5;
	v4 =	vmul.u32 $0xBB800, v5;
	v5 =	vadd.s32 $0x3E800, v11;
	[tilespmem:s31+$0x1100] =	vst v3  }
0x67: {  	[tilespmem:s31+$0xA00] =	vst v5;
	v5 =	vadd.s32 $0x7D000, v11;
	v6 =	vmov v10  }
0x68: {  	v3 =	vshrl.u32 v6, $0x7;
	v2 =	vadd.s32 v1, v2;
	v8 =	vshll.u32 v1, $0x8;
	[tilespmem:s31+$0xA80] =	vst v5  }
0x69: {  	s30 =	sshra.s32 s4, $0x2;
	s4 =	sadd.s32 $0x40, s4;
	v8 =	vand.u32 $0xFFFFF800, v8;
	v9 =	vshll.u32 v2, $0xA;
	v10 =	vshll.u32 v3, $0x9;
	[tilespmem:s31+$0x980] =	vst v11  }
0x6a: {  	v5 =	vmov v6  }
.LBB2_10:
0x6b: {  	v6 =	vld [tilespmem:s30+$0x80];
	v11 =	vand.u32 @p2 $0x7F, v5;
	v1 =	vshll.u32 @p2 v1, $0x7;
	[tilespmem:s31+$0x680] =	vst @p3 v7  }
0x6c: {  	v7 =	vadd.s32 @p2 v9, v10;
	v4 =	vadd.s32 @p2 v4, v8;
	v3 =	vshll.u32 @p2 v3, $0xA;
	v55 =	vld [tilespmem:s30+$0x280]  }
0x6d: {  	s4 =	smov.u32 @p2 s29;
	v2 =	vshll.u32 @p2 v2, $0x8;
	v1 =	vand.u32 @p2 $0x380, v1;
	v56 =	vld [tilespmem:s30+$0x480];
	v7 =	vor.u32 @p2 v11, v7  }
0x6e: {  	v2 =	vadd.s32 @p2 v5, v2;
	v1 =	vor.u32 @p2 v1, v4;
	[tilespmem:s4+$0x1000] =	vst @p2 v7;
	v4 =	vor.u32 @p2 $0x180, v7  }
0x6f: {  	v10 =	vor.u32 @p2 $0x80, v7;
	v2 =	vpsel p2, v2, v0;
	v1 =	vor.u32 @p2 v11, v1;
	[tilespmem:s4+$0x1180] =	vst @p2 v4  }
0x70: {  	[tilespmem:s4+$0x1080] =	vst @p2 v10;
	v1 =	vadd.s32 @p2 v3, v1;
	v3 =	vor.u32 @p2 $0x100, v7;
	v57 =	vmul.u32 $0x3E8, v6  }
0x71: {  	v58 =	vmul.u32 $0xBB800, v6;
	v6 =	vadd.s32 @p2 $0x3E800, v1;
	[tilespmem:s4+$0x1100] =	vst @p2 v3;
	v3 =	vadd.s32 @p2 $0x7D000, v1  }
0x72: {  	[tilespmem:s4+$0x980] =	vst @p2 v1;
	v59 =	vshll.u32 v55, $0x8;
	v60 =	vshrl.u32 v56, $0x7;
	v4 =	vadd.s32 v55, v57  }
0x73: {  	[tilespmem:s4+$0xA80] =	vst @p2 v3;
	v1 =	vand.u32 $0x7F, v56;
	v61 =	vshll.u32 v60, $0x9;
	v3 =	vshll.u32 v4, $0xA  }
0x74: {  	[tilespmem:s4+$0xA00] =	vst @p2 v6;
	s4 =	smov.u32 @p2 s4;
	v8 =	vshll.u32 v55, $0x7;
	v7 =	vand.u32 $0xFFFFF800, v59;
	v3 =	vadd.s32 v3, v61  }
0x75: {  	[tilespmem:s4+$0x680] =	vst @p2 v2;
	v62 =	vand.u32 $0x380, v8;
	v2 =	vadd.s32 v58, v7;
	v3 =	vor.u32 v1, v3  }
0x76: {  	v2 =	vor.u32 v62, v2;
	[tilespmem:s30+$0x1000] =	vst v3;
	v63 =	vor.u32 $0x180, v3  }
0x77: {  	v6 =	vshll.u32 v60, $0xA;
	v1 =	vor.u32 v1, v2;
	v2 =	vor.u32 $0x80, v3;
	[tilespmem:s30+$0x1180] =	vst v63  }
0x78: {  	v1 =	vadd.s32 v6, v1;
	[tilespmem:s30+$0x1080] =	vst v2  }
.Ltmp5:
0x79: {  	v2 =	vor.u32 $0x100, v3;
	[tilespmem:s30+$0x980] =	vst v1;
	(pc) =	sbr.rel @!p1 .LBB2_11-.Ltmp5, $4  }
0x7a: {  	v3 =	vadd.s32 $0x3E800, v1;
	[tilespmem:s30+$0x1100] =	vst v2  }
0x7b: {  	[tilespmem:s30+$0xA00] =	vst v3;
	v2 =	vadd.s32 $0x7D000, v1;
	v3 =	vshll.u32 v4, $0x8  }
0x7c: {  	[tilespmem:s30+$0xA80] =	vst v2;
	v2 =	vadd.s32 v56, v3  }
0x7d: {  	[tilespmem:s30+$0x680] =	vst v2  }
0x7e: {  	v2 =	vld [tilespmem:s28+$0x100]  }
0x7f: {  	v5 =	vld [tilespmem:s28+$0x500]  }
0x80: {  	v1 =	vld [tilespmem:s28+$0x300]  }
0x81: {  	p2 =	por $0x1, $0x1  }
.Ltmp6:
0x82: {  	_ = 	snop;
	(pc) =	sbr.rel @!p2 .LBB2_13-.Ltmp6, $4  }
0x83: {  	v6 =	vmul.u32 $0x3E8, v2  }
0x84: {  	v4 =	vmul.u32 $0xBB800, v2  }
0x85: {  	v3 =	vshrl.u32 v5, $0x7;
	v2 =	vadd.s32 v1, v6;
	v6 =	vshll.u32 v1, $0x8  }
0x86: {  	s30 =	simm.s32 $0x10;
	p1 =	por $0x1, $0x1;
	v10 =	vshll.u32 v3, $0x9;
	v8 =	vand.u32 $0xFFFFF800, v6;
	v9 =	vshll.u32 v2, $0xA  }
0x87: {  	v11 =	vld [tilespmem:s30+$0x100];
	v7 =	vand.u32 $0x7F, v5;
	v1 =	vshll.u32 v1, $0x7;
	v9 =	vadd.s32 v9, v10  }
0x88: {  	v6 =	vld [tilespmem:s30+$0x500];
	v4 =	vadd.s32 v4, v8;
	v8 =	vand.u32 $0x380, v1;
	v9 =	vor.u32 v7, v9  }
0x89: {  	v1 =	vld [tilespmem:s30+$0x300];
	v4 =	vor.u32 v8, v4;
	[tilespmem:s28+$0x1200] =	vst v9;
	v8 =	vor.u32 $0x180, v9  }
0x8a: {  	v3 =	vshll.u32 v3, $0xA;
	p2 =	por $0x1, $0x1;
	v4 =	vor.u32 v7, v4;
	v7 =	vor.u32 $0x80, v9;
	[tilespmem:s28+$0x1380] =	vst v8  }
.Ltmp7:
0x8b: {  	v2 =	vshll.u32 v2, $0x8;
	v12 =	vadd.s32 v3, v4;
	[tilespmem:s28+$0x1280] =	vst v7;
	v3 =	vor.u32 $0x100, v9;
	(pc) =	sbr.rel @!p2 .LBB2_15-.Ltmp7, $4  }
0x8c: {  	v7 =	vadd.s32 v5, v2;
	v8 =	vmul.u32 $0x3E8, v11;
	[tilespmem:s28+$0x1300] =	vst v3  }
0x8d: {  	v9 =	vadd.s32 $0x3E800, v12;
	v4 =	vmul.u32 $0xBB800, v11;
	v5 =	vadd.s32 $0x7D000, v12;
	[tilespmem:s28+$0xB00] =	vst v12  }
0x8e: {  	v3 =	vshrl.u32 v6, $0x7;
	[tilespmem:s28+$0xB80] =	vst v9;
	v2 =	vadd.s32 v1, v8;
	v8 =	vshll.u32 v1, $0x8  }
0x8f: {  	s29 =	simm.s32 $0x20;
	s4 =	simm.s32 $0xC0;
	p0 =	por $0x1, $0x1;
	[tilespmem:s28+$0xC00] =	vst v5;
	v10 =	vshll.u32 v3, $0x9;
	v8 =	vand.u32 $0xFFFFF800, v8;
	v9 =	vshll.u32 v2, $0xA  }
.LBB2_16:
0x90: {  	p2 =	sne.s32 s4, $0x1C0;
	v5 =	vld [tilespmem:s29+$0x100];
	v11 =	vand.u32 $0x7F, v6;
	v1 =	vshll.u32 v1, $0x7;
	v9 =	vadd.s32 v9, v10;
	[tilespmem:s28+$0x700] =	vst v7;
	s28 =	smov.u32 s30;
	s30 =	smov.u32 s29  }
0x91: {  	v4 =	vadd.s32 v4, v8;
	v10 =	vld [tilespmem:s30+$0x500];
	v7 =	vand.u32 $0x380, v1;
	v8 =	vor.u32 v11, v9  }
0x92: {  	v3 =	vshll.u32 v3, $0xA;
	v1 =	vld [tilespmem:s30+$0x300];
	v4 =	vor.u32 v7, v4;
	[tilespmem:s28+$0x1200] =	vst v8;
	v7 =	vor.u32 $0x180, v8  }
0x93: {  	v2 =	vshll.u32 v2, $0x8;
	v9 =	vor.u32 $0x80, v8;
	v4 =	vor.u32 v11, v4;
	[tilespmem:s28+$0x1380] =	vst v7  }
.Ltmp8:
0x94: {  	v7 =	vadd.s32 v6, v2;
	v11 =	vadd.s32 v3, v4;
	[tilespmem:s28+$0x1280] =	vst v9;
	v3 =	vor.u32 $0x100, v8;
	(pc) =	sbr.rel @p2 .LBB2_16-.Ltmp8, $4  }
0x95: {  	v2 =	vmul.u32 $0x3E8, v5;
	v4 =	vmul.u32 $0xBB800, v5;
	v5 =	vadd.s32 $0x3E800, v11;
	[tilespmem:s28+$0x1300] =	vst v3  }
0x96: {  	[tilespmem:s28+$0xB80] =	vst v5;
	v5 =	vadd.s32 $0x7D000, v11;
	v6 =	vmov v10  }
0x97: {  	v3 =	vshrl.u32 v6, $0x7;
	v2 =	vadd.s32 v1, v2;
	v8 =	vshll.u32 v1, $0x8;
	[tilespmem:s28+$0xC00] =	vst v5  }
0x98: {  	s29 =	sshra.s32 s4, $0x2;
	s4 =	sadd.s32 $0x40, s4;
	v8 =	vand.u32 $0xFFFFF800, v8;
	v9 =	vshll.u32 v2, $0xA;
	v10 =	vshll.u32 v3, $0x9;
	[tilespmem:s28+$0xB00] =	vst v11  }
0x99: {  	s4 =	smov.u32 s28;
	v5 =	vmov v6;
	s28 =	smov.u32 s30  }
.LBB2_18:
0x9a: {  	v6 =	vld [tilespmem:s29+$0x100];
	v11 =	vand.u32 @p1 $0x7F, v5;
	v1 =	vshll.u32 @p1 v1, $0x7;
	[tilespmem:s4+$0x700] =	vst @p0 v7;
	v7 =	vadd.s32 @p1 v9, v10  }
0x9b: {  	v4 =	vadd.s32 @p1 v4, v8;
	s4 =	smov.u32 @p1 s28;
	v1 =	vand.u32 @p1 $0x380, v1;
	v8 =	vld [tilespmem:s29+$0x300];
	v7 =	vor.u32 @p1 v11, v7  }
0x9c: {  	v3 =	vshll.u32 @p1 v3, $0xA;
	v9 =	vld [tilespmem:s29+$0x500];
	v1 =	vor.u32 @p1 v1, v4;
	[tilespmem:s4+$0x1200] =	vst @p1 v7;
	v4 =	vor.u32 @p1 $0x180, v7  }
0x9d: {  	v2 =	vshll.u32 @p1 v2, $0x8;
	v10 =	vor.u32 @p1 $0x80, v7;
	v1 =	vor.u32 @p1 v11, v1;
	[tilespmem:s4+$0x1380] =	vst @p1 v4  }
0x9e: {  	v2 =	vadd.s32 @p1 v5, v2;
	[tilespmem:s4+$0x1280] =	vst @p1 v10;
	v1 =	vadd.s32 @p1 v3, v1;
	v3 =	vor.u32 @p1 $0x100, v7  }
0x9f: {  	v2 =	vpsel p1, v2, v0;
	v4 =	vmul.u32 $0x3E8, v6;
	[tilespmem:s4+$0x1300] =	vst @p1 v3  }
0xa0: {  	v5 =	vmul.u32 $0xBB800, v6;
	v6 =	vadd.s32 @p1 $0x3E800, v1;
	v3 =	vadd.s32 @p1 $0x7D000, v1;
	[tilespmem:s4+$0xB00] =	vst @p1 v1  }
0xa1: {  	v7 =	vshll.u32 v8, $0x8;
	[tilespmem:s4+$0xB80] =	vst @p1 v6;
	v6 =	vshrl.u32 v9, $0x7;
	v4 =	vadd.s32 v8, v4  }
0xa2: {  	[tilespmem:s4+$0xC00] =	vst @p1 v3;
	v1 =	vand.u32 $0x7F, v9;
	v10 =	vshll.u32 v6, $0x9;
	v3 =	vshll.u32 v4, $0xA  }
0xa3: {  	s4 =	smov.u32 @p1 s4;
	v7 =	vand.u32 $0xFFFFF800, v7;
	v8 =	vshll.u32 v8, $0x7;
	v3 =	vadd.s32 v3, v10  }
0xa4: {  	[tilespmem:s4+$0x700] =	vst @p1 v2;
	v2 =	vadd.s32 v5, v7;
	v5 =	vand.u32 $0x380, v8;
	v3 =	vor.u32 v1, v3  }
0xa5: {  	v2 =	vor.u32 v5, v2;
	[tilespmem:s29+$0x1200] =	vst v3;
	v5 =	vor.u32 $0x180, v3  }
0xa6: {  	v6 =	vshll.u32 v6, $0xA;
	v1 =	vor.u32 v1, v2;
	v2 =	vor.u32 $0x80, v3;
	[tilespmem:s29+$0x1380] =	vst v5  }
0xa7: {  	v1 =	vadd.s32 v6, v1;
	[tilespmem:s29+$0x1280] =	vst v2  }
0xa8: {  	v2 =	vor.u32 $0x100, v3;
	[tilespmem:s29+$0xB00] =	vst v1  }
0xa9: {  	v3 =	vadd.s32 $0x3E800, v1;
	[tilespmem:s29+$0x1300] =	vst v2  }
0xaa: {  	[tilespmem:s29+$0xB80] =	vst v3;
	v2 =	vadd.s32 $0x7D000, v1;
	v3 =	vshll.u32 v4, $0x8  }
0xab: {  	[tilespmem:s29+$0xC00] =	vst v2;
	v2 =	vadd.s32 v9, v3  }
0xac: {  	[tilespmem:s29+$0x700] =	vst v2;
	s29 =	simm.s32 $0x0  }
0xad: {  	v1 =	vld [tilespmem:s29+$0x180]  }
0xae: {  	v3 =	vld [tilespmem:s29+$0x580]  }
0xaf: {  	v2 =	vld [tilespmem:s29+$0x380];
	_ =	sdelay $0x2  }
0xb0: {  	v4 =	vmul.u32 $0x3E8, v1  }
0xb1: {  	v5 =	vmul.u32 $0xBB800, v1  }
0xb2: {  	v6 =	vshrl.u32 v3, $0x7;
	v1 =	vshll.u32 v2, $0x8;
	v4 =	vadd.s32 v2, v4  }
0xb3: {  	s28 =	simm.s32 $0x10;
	v7 =	vand.u32 $0xFFFFF800, v1;
	v8 =	vshll.u32 v6, $0x9;
	v1 =	vshll.u32 v4, $0xA  }
0xb4: {  	v9 =	vld [tilespmem:s28+$0x180];
	v10 =	vand.u32 $0x7F, v3;
	v2 =	vshll.u32 v2, $0x7;
	v8 =	vadd.s32 v1, v8  }
0xb5: {  	v5 =	vadd.s32 v5, v7;
	v7 =	vand.u32 $0x380, v2;
	v2 =	vld [tilespmem:s28+$0x380];
	v8 =	vor.u32 v10, v8  }
0xb6: {  	v1 =	vld [tilespmem:s28+$0x580];
	v5 =	vor.u32 v7, v5;
	[tilespmem:s29+$0x1400] =	vst v8;
	v7 =	vor.u32 $0x180, v8  }
0xb7: {  	v6 =	vshll.u32 v6, $0xA;
	v5 =	vor.u32 v10, v5;
	v10 =	vor.u32 $0x80, v8;
	[tilespmem:s29+$0x1580] =	vst v7  }
0xb8: {  	v11 =	vadd.s32 v6, v5;
	v5 =	vor.u32 $0x100, v8;
	[tilespmem:s29+$0x1480] =	vst v10  }
0xb9: {  	v4 =	vshll.u32 v4, $0x8;
	v7 =	vmul.u32 $0x3E8, v9;
	v8 =	vadd.s32 $0x3E800, v11;
	[tilespmem:s29+$0x1500] =	vst v5  }
0xba: {  	v6 =	vadd.s32 v3, v4;
	v4 =	vmul.u32 $0xBB800, v9;
	[tilespmem:s29+$0xD00] =	vst v8;
	v8 =	vadd.s32 $0x7D000, v11  }
0xbb: {  	[tilespmem:s29+$0xC80] =	vst v11;
	v5 =	vshrl.u32 v1, $0x7;
	v3 =	vadd.s32 v2, v7;
	v7 =	vshll.u32 v2, $0x8  }
0xbc: {  	s30 =	simm.s32 $0x20;
	s4 =	simm.s32 $0xC0;
	[tilespmem:s29+$0xD80] =	vst v8;
	v7 =	vand.u32 $0xFFFFF800, v7;
	v8 =	vshll.u32 v3, $0xA;
	v9 =	vshll.u32 v5, $0x9  }
.LBB2_19:
0xbd: {  	p0 =	sne.s32 s4, $0x1C0;
	v10 =	vld [tilespmem:s30+$0x180];
	v11 =	vand.u32 $0x7F, v1;
	v2 =	vshll.u32 v2, $0x7;
	v8 =	vadd.s32 v8, v9;
	[tilespmem:s29+$0x780] =	vst v6;
	s29 =	smov.u32 s28;
	s28 =	smov.u32 s30  }
0xbe: {  	v4 =	vadd.s32 v4, v7;
	v9 =	vld [tilespmem:s28+$0x580];
	v6 =	vand.u32 $0x380, v2;
	v7 =	vor.u32 v11, v8  }
0xbf: {  	v5 =	vshll.u32 v5, $0xA;
	v2 =	vld [tilespmem:s28+$0x380];
	v4 =	vor.u32 v6, v4;
	[tilespmem:s29+$0x1400] =	vst v7;
	v6 =	vor.u32 $0x180, v7  }
0xc0: {  	v3 =	vshll.u32 v3, $0x8;
	v8 =	vor.u32 $0x80, v7;
	v4 =	vor.u32 v11, v4;
	[tilespmem:s29+$0x1580] =	vst v6  }
.Ltmp9:
0xc1: {  	v6 =	vadd.s32 v1, v3;
	v11 =	vadd.s32 v5, v4;
	[tilespmem:s29+$0x1480] =	vst v8;
	v5 =	vor.u32 $0x100, v7;
	(pc) =	sbr.rel @p0 .LBB2_19-.Ltmp9, $4  }
0xc2: {  	v3 =	vmul.u32 $0x3E8, v10;
	v4 =	vmul.u32 $0xBB800, v10;
	v8 =	vadd.s32 $0x3E800, v11;
	[tilespmem:s29+$0x1500] =	vst v5  }
0xc3: {  	v7 =	vadd.s32 $0x7D000, v11;
	[tilespmem:s29+$0xD00] =	vst v8;
	v1 =	vmov v9  }
0xc4: {  	v5 =	vshrl.u32 v1, $0x7;
	v3 =	vadd.s32 v2, v3;
	v8 =	vshll.u32 v2, $0x8;
	[tilespmem:s29+$0xD80] =	vst v7  }
0xc5: {  	s30 =	sshra.s32 s4, $0x2;
	s4 =	sadd.s32 $0x40, s4;
	v7 =	vand.u32 $0xFFFFF800, v8;
	v8 =	vshll.u32 v3, $0xA;
	v9 =	vshll.u32 v5, $0x9;
	[tilespmem:s29+$0xC80] =	vst v11  }
0xc6: {  	v10 =	vld [tilespmem:s30+$0x180];
	v11 =	vand.u32 $0x7F, v1;
	[tilespmem:s29+$0x780] =	vst v6  }
0xc7: {  	v2 =	vshll.u32 v2, $0x7;
	v6 =	vadd.s32 v8, v9;
	v4 =	vadd.s32 v4, v7;
	v8 =	vld [tilespmem:s30+$0x580]  }
0xc8: {  	v3 =	vshll.u32 v3, $0x8;
	v2 =	vand.u32 $0x380, v2;
	v6 =	vor.u32 v11, v6;
	v7 =	vld [tilespmem:s30+$0x380]  }
0xc9: {  	v2 =	vor.u32 v2, v4;
	v4 =	vshll.u32 v5, $0xA;
	[tilespmem:s28+$0x1400] =	vst v6;
	v5 =	vor.u32 $0x180, v6  }
0xca: {  	v1 =	vadd.s32 v1, v3;
	v9 =	vor.u32 $0x80, v6;
	v2 =	vor.u32 v11, v2;
	[tilespmem:s28+$0x1580] =	vst v5  }
0xcb: {  	[tilespmem:s28+$0x1480] =	vst v9;
	v2 =	vadd.s32 v4, v2;
	v4 =	vor.u32 $0x100, v6;
	v3 =	vmul.u32 $0x3E8, v10  }
0xcc: {  	v5 =	vmul.u32 $0xBB800, v10;
	v6 =	vadd.s32 $0x3E800, v2;
	[tilespmem:s28+$0x1500] =	vst v4;
	v4 =	vadd.s32 $0x7D000, v2  }
0xcd: {  	[tilespmem:s28+$0xD00] =	vst v6;
	v6 =	vshrl.u32 v8, $0x7;
	v9 =	vshll.u32 v7, $0x8;
	v3 =	vadd.s32 v7, v3  }
0xce: {  	[tilespmem:s28+$0xD80] =	vst v4;
	v4 =	vand.u32 $0xFFFFF800, v9;
	v10 =	vshll.u32 v6, $0x9;
	v9 =	vshll.u32 v3, $0xA  }
0xcf: {  	[tilespmem:s28+$0xC80] =	vst v2;
	v2 =	vand.u32 $0x7F, v8;
	v7 =	vshll.u32 v7, $0x7;
	v9 =	vadd.s32 v9, v10  }
0xd0: {  	[tilespmem:s28+$0x780] =	vst v1;
	v1 =	vadd.s32 v5, v4;
	v4 =	vand.u32 $0x380, v7;
	v5 =	vor.u32 v2, v9  }
0xd1: {  	v1 =	vor.u32 v4, v1;
	[tilespmem:s30+$0x1400] =	vst v5;
	v4 =	vor.u32 $0x180, v5  }
0xd2: {  	v6 =	vshll.u32 v6, $0xA;
	v1 =	vor.u32 v2, v1;
	v2 =	vor.u32 $0x80, v5;
	[tilespmem:s30+$0x1580] =	vst v4  }
0xd3: {  	v1 =	vadd.s32 v6, v1;
	[tilespmem:s30+$0x1480] =	vst v2  }
0xd4: {  	v2 =	vor.u32 $0x100, v5;
	[tilespmem:s30+$0xC80] =	vst v1  }
0xd5: {  	v4 =	vadd.s32 $0x3E800, v1;
	[tilespmem:s30+$0x1500] =	vst v2  }
0xd6: {  	v3 =	vshll.u32 v3, $0x8;
	[tilespmem:s30+$0xD00] =	vst v4;
	v2 =	vadd.s32 $0x7D000, v1  }
0xd7: {  	[tilespmem:s30+$0xD80] =	vst v2;
	v2 =	vadd.s32 v8, v3  }
0xd8: {  	[tilespmem:s30+$0x780] =	vst v2  }
0xd9: {  	[tilespmem:s18], [sflag:$0x1] =	stream.indirect.gather [hbm4b:s0+s16], $0x1, s17, s16, $0xb8;
	[tilespmem:$0x3C00] =	vst v63  }
0xda: {  	_ = 	snop  }
0xdb: {  	[tilespmem:s19], [sflag:$0x1] =	stream.indirect.gather [hbm4b:s2+s16], $0x1, s17, s16, $0xb8;
	[tilespmem:$0x3C00] =	vst v63  }
0xdc: {  	_ = 	snop  }
0xdd: {  	[tilespmem:s21], [sflag:$0x1] =	stream.indirect.gather [hbm4b:s1+s17], $0x1, s20, s17, $0xb8;
	[tilespmem:$0x3C00] =	vst v63  }
0xde: {  	_ = 	snop  }
0xdf: {  	[tilespmem:s22], [sflag:$0x1] =	stream.indirect.gather [hbm4b:s3+s13], $0x1, s16, s13, $0xb8;
	[tilespmem:$0x3C00] =	vst v63  }
0xe0: {  	_ =	swait.ge [sflag:s15], $0x600  }
0xe1: {  	[sflag:s15] =	ssyncset.done $0x0  }
0xe2: {  	[sflag:s15] =	ssyncadd.s32 $0xFFFFFA00  }
0xe3: {  	_ =	swait.ge [sflag:s15], $0x600  }
0xe4: {  	[sflag:s15] =	ssyncset.done $0x0  }
0xe5: {  	[sflag:s15] =	ssyncadd.s32 $0xFFFFFA00  }
0xe6: {  	_ =	swait.ge [sflag:s15], $0x800  }
0xe7: {  	[sflag:s15] =	ssyncset.done $0x0  }
0xe8: {  	[sflag:s15] =	ssyncadd.s32 $0xFFFFF800  }
0xe9: {  	_ =	swait.ge [sflag:s15], $0x200  }
0xea: {  	[sflag:s15] =	ssyncset.done $0x0  }
0xeb: {  	[sflag:s15] =	ssyncadd.s32 $0xFFFFFE00  }
0xec: {  	v1 =	vld [tilespmem:$0x1600]  }
0xed: {  	v2 =	vld [tilespmem:$0x1C00]  }
0xee: {  	v3 =	vld [tilespmem:$0x1680]  }
0xef: {  	v4 =	vld [tilespmem:$0x1C80]  }
0xf0: {  	v5 =	vld [tilespmem:$0x1700]  }
0xf1: {  	v6 =	vld [tilespmem:$0x1D00]  }
0xf2: {  	v7 =	vld [tilespmem:$0x1610]  }
0xf3: {  	v8 =	vld [tilespmem:$0x1C10]  }
0xf4: {  	v9 =	vld [tilespmem:$0x1690]  }
0xf5: {  	v10 =	vld [tilespmem:$0x1C90]  }
0xf6: {  	v11 =	vld [tilespmem:$0x1710]  }
0xf7: {  	v12 =	vld [tilespmem:$0x1D10]  }
0xf8: {  	v13 =	vld [tilespmem:$0x1620]  }
0xf9: {  	v14 =	vld [tilespmem:$0x1C20]  }
0xfa: {  	v15 =	vld [tilespmem:$0x16A0]  }
0xfb: {  	v16 =	vld [tilespmem:$0x1CA0]  }
0xfc: {  	v17 =	vld [tilespmem:$0x1720]  }
0xfd: {  	v18 =	vld [tilespmem:$0x1D20]  }
0xfe: {  	v19 =	vld [tilespmem:$0x1630]  }
0xff: {  	v20 =	vld [tilespmem:$0x1C30]  }
0x100: {  	v21 =	vld [tilespmem:$0x16B0]  }
0x101: {  	v22 =	vld [tilespmem:$0x1CB0]  }
0x102: {  	v1 =	vadd.f32 v2, v1;
	v2 =	vld [tilespmem:$0x1730]  }
0x103: {  	[tilespmem:$0x2D80] =	vst v0;
	v3 =	vadd.f32 v4, v3;
	v4 =	vld [tilespmem:$0x1D30]  }
0x104: {  	[tilespmem:$0x2C00] =	vst v1;
	v1 =	vadd.f32 v6, v5;
	v5 =	vld [tilespmem:$0x1640]  }
0x105: {  	[tilespmem:$0x2C80] =	vst v3;
	v3 =	vld [tilespmem:$0x1C40]  }
0x106: {  	v6 =	vld [tilespmem:$0x16C0];
	[tilespmem:$0x2D00] =	vst v1;
	v1 =	vadd.f32 v8, v7  }
0x107: {  	[tilespmem:$0x2D90] =	vst v0;
	v7 =	vadd.f32 v10, v9;
	v8 =	vld [tilespmem:$0x1CC0]  }
0x108: {  	v9 =	vld [tilespmem:$0x1740];
	[tilespmem:$0x2C10] =	vst v1;
	v1 =	vadd.f32 v12, v11  }
0x109: {  	v10 =	vld [tilespmem:$0x1650];
	[tilespmem:$0x2C90] =	vst v7  }
0x10a: {  	v7 =	vld [tilespmem:$0x1D40];
	[tilespmem:$0x2D10] =	vst v1;
	v1 =	vadd.f32 v14, v13  }
0x10b: {  	[tilespmem:$0x2DA0] =	vst v0;
	v11 =	vadd.f32 v16, v15;
	v12 =	vld [tilespmem:$0x1C50]  }
0x10c: {  	v16 =	vld [tilespmem:$0x1D50];
	[tilespmem:$0x2C20] =	vst v1;
	v1 =	vadd.f32 v18, v17  }
0x10d: {  	v13 =	vld [tilespmem:$0x16D0];
	[tilespmem:$0x2CA0] =	vst v11  }
0x10e: {  	v11 =	vld [tilespmem:$0x1CD0];
	[tilespmem:$0x2D20] =	vst v1;
	v1 =	vadd.f32 v20, v19  }
0x10f: {  	[tilespmem:$0x2DB0] =	vst v0;
	v14 =	vld [tilespmem:$0x1750]  }
0x110: {  	[tilespmem:$0x2C30] =	vst v1;
	v1 =	vadd.f32 v4, v2;
	v2 =	vld [tilespmem:$0x1660]  }
0x111: {  	[tilespmem:$0x2DC0] =	vst v0;
	v4 =	vld [tilespmem:$0x1C60]  }
0x112: {  	[tilespmem:$0x2D30] =	vst v1;
	v1 =	vadd.f32 v3, v5;
	v3 =	vld [tilespmem:$0x16E0]  }
0x113: {  	[tilespmem:$0x2DD0] =	vst v0;
	v5 =	vadd.f32 v8, v6;
	v6 =	vld [tilespmem:$0x1CE0]  }
0x114: {  	v8 =	vld [tilespmem:$0x1670];
	[tilespmem:$0x2C40] =	vst v1;
	v1 =	vadd.f32 v7, v9  }
0x115: {  	v7 =	vld [tilespmem:$0x1760];
	[tilespmem:$0x2CC0] =	vst v5  }
0x116: {  	v5 =	vld [tilespmem:$0x1D60];
	[tilespmem:$0x2D40] =	vst v1;
	v1 =	vadd.f32 v12, v10  }
0x117: {  	[tilespmem:$0x2DE0] =	vst v0;
	v9 =	vadd.f32 v11, v13;
	v11 =	vld [tilespmem:$0x16F0]  }
0x118: {  	v10 =	vld [tilespmem:$0x1C70];
	[tilespmem:$0x2C50] =	vst v1;
	v1 =	vadd.f32 v16, v14  }
0x119: {  	[tilespmem:$0x2CD0] =	vst v9;
	v9 =	vld [tilespmem:$0x1CF0]  }
0x11a: {  	[tilespmem:$0x2D50] =	vst v1;
	v1 =	vadd.f32 v4, v2;
	v2 =	vld [tilespmem:$0x1770]  }
0x11b: {  	[tilespmem:$0x2DF0] =	vst v0;
	v15 =	vadd.f32 v22, v21;
	v4 =	vld [tilespmem:$0x1D70]  }
0x11c: {  	[tilespmem:$0x2C60] =	vst v1;
	v1 =	vadd.f32 v5, v7  }
0x11d: {  	[tilespmem:$0x2CB0] =	vst v15;
	v3 =	vadd.f32 v6, v3  }
0x11e: {  	[tilespmem:$0x2D60] =	vst v1;
	v1 =	vadd.f32 v10, v8  }
0x11f: {  	[tilespmem:$0x2CE0] =	vst v3;
	v3 =	vadd.f32 v9, v11  }
0x120: {  	[tilespmem:$0x2C70] =	vst v1;
	v1 =	vadd.f32 v4, v2  }
0x121: {  	[tilespmem:$0x2CF0] =	vst v3  }
0x122: {  	s31 =	simm.s32 $0x0;
	[tilespmem:$0x2D70] =	vst v1  }
0x123: {  	v1 =	vld [tilespmem:s31+$0x2A00];
	_ =	sdelay $0x4  }
0x124: {  	v1 =	vmul.f32 $5.000000000e-01, v1;
	_ =	sdelay $0x1  }
0x125: {  	v2 =	vmul.f32 v1, v1;
	_ =	sdelay $0x1  }
0x126: {  	v3 =	vmul.f32 $2.755731880e-06, v2  }
0x127: {  	s29 =	simm.s32 $0x10  }
0x128: {  	v4 =	vld [tilespmem:s29+$0x2A00];
	v5 =	vmul.f32 $2.480158760e-05, v2;
	v3 =	vadd.f32 $-1.984127010e-04, v3;
	_ =	sdelay $0x1  }
0x129: {  	v5 =	vadd.f32 $-1.388888920e-03, v5;
	v3 =	vmul.f32 v3, v2;
	_ =	sdelay $0x1  }
0x12a: {  	v5 =	vmul.f32 v5, v2;
	v3 =	vadd.f32 $8.333333770e-03, v3  }
0x12b: {  	v6 =	vmul.f32 $5.000000000e-01, v4  }
0x12c: {  	v4 =	vadd.f32 $4.166666790e-02, v5;
	v3 =	vmul.f32 v3, v2  }
0x12d: {  	v7 =	vmul.f32 v6, v6  }
0x12e: {  	v4 =	vmul.f32 v4, v2;
	v3 =	vadd.f32 $-1.666666720e-01, v3  }
0x12f: {  	s28 =	simm.s32 $0x20;
	v15 =	vld [tilespmem:s31+$0x2200];
	v5 =	vmul.f32 $2.755731880e-06, v7  }
0x130: {  	v8 =	vld [tilespmem:s28+$0x2A00];
	v4 =	vadd.f32 $-5.000000000e-01, v4;
	v3 =	vmul.f32 v3, v2  }
0x131: {  	v12 =	vld [tilespmem:s31+$0x2380];
	v10 =	vmul.f32 $2.480158760e-05, v7;
	v5 =	vadd.f32 $-1.984127010e-04, v5  }
0x132: {  	v2 =	vmul.f32 v4, v2;
	v3 =	vadd.f32 $1.000000000e+00, v3  }
0x133: {  	v9 =	vld [tilespmem:s31+$0x2300];
	v4 =	vadd.f32 $-1.388888920e-03, v10;
	v10 =	vmul.f32 v5, v7  }
0x134: {  	v17 =	vld [tilespmem:s31+$0x2280];
	v11 =	vadd.f32 $1.000000000e+00, v2;
	v16 =	vmul.f32 v3, v1  }
0x135: {  	v2 =	vmul.f32 v4, v7;
	v3 =	vmul.f32 $5.000000000e-01, v8;
	v8 =	vadd.f32 $8.333333770e-03, v10  }
0x136: {  	v5 =	vld [tilespmem:s29+$0x2280];
	v18 =	vmul.f32 v11, v12;
	v19 =	vmul.f32 v16, v15  }
0x137: {  	v4 =	vld [tilespmem:s29+$0x2300];
	v20 =	vadd.f32 $4.166666790e-02, v2;
	v8 =	vmul.f32 v8, v7;
	v14 =	vmul.f32 v16, v12  }
0x138: {  	v2 =	vld [tilespmem:s28+$0x2300];
	v10 =	vmul.f32 v3, v3;
	v13 =	vmul.f32 v16, v9;
	v19 =	vadd.f32 v19, v18  }
0x139: {  	v1 =	vld [tilespmem:s28+$0x2280];
	v20 =	vmul.f32 v20, v7;
	v12 =	vmul.f32 v16, v17;
	v21 =	vadd.f32 $-1.666666720e-01, v8  }
0x13a: {  	s30 =	simm.s32 $0x30;
	v16 =	vmul.f32 v11, v15;
	v17 =	vmul.f32 v11, v17;
	v8 =	vld [tilespmem:s29+$0x2200];
	[tilespmem:s31+$0x3580] =	vst v19  }
0x13b: {  	s4 =	simm.s32 $0x100;
	v18 =	vmul.f32 $2.755731880e-06, v10;
	v19 =	vadd.f32 $-5.000000000e-01, v20;
	v20 =	vmul.f32 v21, v7;
	v15 =	vld [tilespmem:s30+$0x2A00]  }
.LBB2_21:
0x13c: {  	p0 =	sne.s32 s4, $0x1C0  }
0x13d: {  	v21 =	vmul.f32 $2.480158760e-05, v10;
	v18 =	vadd.f32 $-1.984127010e-04, v18;
	v22 =	vld [tilespmem:s29+$0x2380];
	v23 =	vmul.f32 v11, v9;
	v9 =	vmovc v4;
	v4 =	vmovc v2  }
0x13e: {  	v14 =	vsub.f32 v16, v14;
	v24 =	vld [tilespmem:s30+$0x2280];
	v11 =	vmul.f32 v19, v7;
	v19 =	vadd.f32 $1.000000000e+00, v20;
	v7 =	vmovc v10  }
0x13f: {  	v13 =	vadd.f32 v13, v17;
	v2 =	vld [tilespmem:s30+$0x2300];
	v10 =	vadd.f32 $-1.388888920e-03, v21;
	v16 =	vmul.f32 v18, v7  }
0x140: {  	v12 =	vsub.f32 v23, v12;
	v11 =	vadd.f32 $1.000000000e+00, v11;
	v17 =	vmul.f32 v19, v6;
	[tilespmem:s31+$0x3400] =	vst v14;
	v6 =	vmovc v3  }
0x141: {  	v3 =	vmul.f32 $5.000000000e-01, v15;
	v10 =	vmul.f32 v10, v7;
	v14 =	vadd.f32 $8.333333770e-03, v16;
	[tilespmem:s31+$0x3480] =	vst v13  }
0x142: {  	v15 =	vmul.f32 v11, v22;
	v16 =	vmul.f32 v17, v8;
	[tilespmem:s31+$0x3500] =	vst v12;
	s31 =	smov.u32 s29;
	s29 =	smov.u32 s28;
	s28 =	smov.u32 s30  }
.Ltmp10:
0x143: {  	v12 =	vadd.f32 $4.166666790e-02, v10;
	v18 =	vmul.f32 v14, v7;
	v14 =	vmul.f32 v17, v22;
	(pc) =	sbr.rel @p0 .LBB2_21-.Ltmp10, $4  }
0x144: {  	v13 =	vmul.f32 v17, v9;
	v10 =	vmul.f32 v3, v3;
	v15 =	vadd.f32 v16, v15  }
0x145: {  	v19 =	vmul.f32 v12, v7;
	v20 =	vadd.f32 $-1.666666720e-01, v18;
	v12 =	vmul.f32 v17, v5  }
0x146: {  	s30 =	sshra.s32 s4, $0x2;
	v16 =	vmul.f32 v11, v8;
	v18 =	vmul.f32 $2.755731880e-06, v10;
	v8 =	vld [tilespmem:s29+$0x2200];
	[tilespmem:s31+$0x3580] =	vst v15  }
0x147: {  	s4 =	sadd.s32 $0x40, s4;
	v17 =	vmul.f32 v11, v5;
	v5 =	vmovc v1;
	v1 =	vmovc v24;
	v15 =	vld [tilespmem:s30+$0x2A00];
	v19 =	vadd.f32 $-5.000000000e-01, v19;
	v20 =	vmul.f32 v20, v7  }
0x148: {  	v21 =	vmul.f32 $2.480158760e-05, v10  }
0x149: {  	v18 =	vadd.f32 $-1.984127010e-04, v18;
	v22 =	vld [tilespmem:s29+$0x2380];
	v9 =	vmul.f32 v11, v9  }
0x14a: {  	v7 =	vmul.f32 v19, v7;
	v11 =	vadd.f32 $1.000000000e+00, v20;
	v19 =	vadd.f32 $-1.388888920e-03, v21  }
0x14b: {  	v14 =	vsub.f32 v16, v14;
	v13 =	vadd.f32 v13, v17;
	v16 =	vmul.f32 v18, v10  }
0x14c: {  	v7 =	vadd.f32 $1.000000000e+00, v7;
	v6 =	vmul.f32 v11, v6;
	v11 =	vmul.f32 v19, v10  }
0x14d: {  	v17 =	vld [tilespmem:s30+$0x2280];
	v9 =	vsub.f32 v9, v12;
	v12 =	vmul.f32 $5.000000000e-01, v15;
	v15 =	vadd.f32 $8.333333770e-03, v16  }
0x14e: {  	v18 =	vld [tilespmem:s30+$0x2300];
	[tilespmem:s31+$0x3400] =	vst v14;
	v14 =	vmul.f32 v7, v22;
	v16 =	vmul.f32 v6, v8;
	v11 =	vadd.f32 $4.166666790e-02, v11  }
0x14f: {  	[tilespmem:s31+$0x3480] =	vst v13;
	v13 =	vmul.f32 v15, v10;
	v15 =	vmul.f32 v12, v12  }
0x150: {  	[tilespmem:s31+$0x3500] =	vst v9;
	v9 =	vmul.f32 v6, v22;
	v14 =	vadd.f32 v16, v14;
	v11 =	vmul.f32 v11, v10  }
0x151: {  	v8 =	vmul.f32 v7, v8;
	v13 =	vadd.f32 $-1.666666720e-01, v13;
	v19 =	vmul.f32 $2.755731880e-06, v15  }
0x152: {  	v20 =	vld [tilespmem:s28+$0x2200];
	v16 =	vmul.f32 v6, v4;
	v6 =	vmul.f32 v6, v5;
	[tilespmem:s29+$0x3580] =	vst v14;
	v11 =	vadd.f32 $-5.000000000e-01, v11  }
0x153: {  	v14 =	vmul.f32 $2.480158760e-05, v15;
	v13 =	vmul.f32 v13, v10;
	v19 =	vadd.f32 $-1.984127010e-04, v19;
	v21 =	vld [tilespmem:s28+$0x2380]  }
0x154: {  	v5 =	vmul.f32 v7, v5;
	v10 =	vmul.f32 v11, v10  }
0x155: {  	v11 =	vadd.f32 $1.000000000e+00, v13;
	v13 =	vadd.f32 $-1.388888920e-03, v14;
	v14 =	vmul.f32 v19, v15  }
0x156: {  	v4 =	vmul.f32 v7, v4;
	v7 =	vsub.f32 v8, v9;
	v8 =	vadd.f32 $1.000000000e+00, v10  }
0x157: {  	v3 =	vmul.f32 v11, v3;
	v9 =	vmul.f32 v13, v15;
	v10 =	vadd.f32 $8.333333770e-03, v14  }
0x158: {  	v5 =	vadd.f32 v16, v5;
	v4 =	vsub.f32 v4, v6;
	v6 =	vmul.f32 v8, v21  }
0x159: {  	[tilespmem:s29+$0x3400] =	vst v7;
	v7 =	vmul.f32 v3, v20;
	v9 =	vadd.f32 $4.166666790e-02, v9;
	v10 =	vmul.f32 v10, v15  }
0x15a: {  	[tilespmem:s29+$0x3480] =	vst v5  }
0x15b: {  	[tilespmem:s29+$0x3500] =	vst v4;
	v4 =	vadd.f32 v7, v6;
	v5 =	vmul.f32 v9, v15;
	v6 =	vadd.f32 $-1.666666720e-01, v10;
	_ =	sdelay $0x1  }
0x15c: {  	v7 =	vld [tilespmem:s30+$0x2200];
	[tilespmem:s28+$0x3580] =	vst v4;
	v4 =	vadd.f32 $-5.000000000e-01, v5;
	v5 =	vmul.f32 v6, v15  }
0x15d: {  	v6 =	vld [tilespmem:s30+$0x2380]  }
0x15e: {  	v11 =	vmul.f32 v8, v20;
	v4 =	vmul.f32 v4, v15;
	v5 =	vadd.f32 $1.000000000e+00, v5  }
0x15f: {  	v13 =	vmul.f32 v8, v1;
	v9 =	vmul.f32 v3, v21  }
0x160: {  	v10 =	vmul.f32 v3, v2;
	v4 =	vadd.f32 $1.000000000e+00, v4;
	v5 =	vmul.f32 v5, v12  }
0x161: {  	v1 =	vmul.f32 v3, v1;
	v2 =	vmul.f32 v8, v2;
	v3 =	vsub.f32 v11, v9  }
0x162: {  	v8 =	vadd.f32 v10, v13;
	v9 =	vmul.f32 v4, v6;
	v10 =	vmul.f32 v5, v7  }
0x163: {  	v1 =	vsub.f32 v2, v1;
	[tilespmem:s28+$0x3400] =	vst v3;
	v2 =	vmul.f32 v5, v6;
	v3 =	vmul.f32 v4, v7  }
0x164: {  	[tilespmem:s28+$0x3480] =	vst v8;
	v6 =	vmul.f32 v5, v18;
	v8 =	vmul.f32 v4, v17;
	v7 =	vadd.f32 v10, v9  }
0x165: {  	[tilespmem:s28+$0x3500] =	vst v1;
	v1 =	vmul.f32 v5, v17;
	v4 =	vmul.f32 v4, v18;
	v2 =	vsub.f32 v3, v2  }
0x166: {  	v3 =	vadd.f32 v6, v8;
	[tilespmem:s30+$0x3580] =	vst v7  }
0x167: {  	v1 =	vsub.f32 v4, v1;
	[tilespmem:s30+$0x3400] =	vst v2  }
0x168: {  	[tilespmem:s30+$0x3480] =	vst v3  }
0x169: {  	[tilespmem:s30+$0x3500] =	vst v1  }
0x16a: {  	v1 =	vld [tilespmem:$0x1780]  }
0x16b: {  	v2 =	vld [tilespmem:$0x1D80]  }
0x16c: {  	v3 =	vld [tilespmem:$0x1800]  }
0x16d: {  	v4 =	vld [tilespmem:$0x1E00]  }
0x16e: {  	v5 =	vld [tilespmem:$0x1880]  }
0x16f: {  	v6 =	vld [tilespmem:$0x1E80]  }
0x170: {  	v7 =	vld [tilespmem:$0x1790]  }
0x171: {  	v8 =	vld [tilespmem:$0x1D90]  }
0x172: {  	v9 =	vld [tilespmem:$0x1810]  }
0x173: {  	v10 =	vld [tilespmem:$0x1E10]  }
0x174: {  	v11 =	vld [tilespmem:$0x1890]  }
0x175: {  	v12 =	vld [tilespmem:$0x1E90]  }
0x176: {  	v13 =	vld [tilespmem:$0x17A0]  }
0x177: {  	v14 =	vld [tilespmem:$0x1DA0]  }
0x178: {  	v15 =	vld [tilespmem:$0x1820]  }
0x179: {  	v16 =	vld [tilespmem:$0x1E20]  }
0x17a: {  	v17 =	vld [tilespmem:$0x18A0]  }
0x17b: {  	v18 =	vld [tilespmem:$0x1EA0]  }
0x17c: {  	v19 =	vld [tilespmem:$0x17B0]  }
0x17d: {  	v20 =	vld [tilespmem:$0x1DB0]  }
0x17e: {  	v21 =	vld [tilespmem:$0x1830]  }
0x17f: {  	v22 =	vld [tilespmem:$0x1E30]  }
0x180: {  	v1 =	vadd.f32 v2, v1;
	v2 =	vld [tilespmem:$0x18B0]  }
0x181: {  	[tilespmem:$0x2F80] =	vst v0;
	v3 =	vadd.f32 v4, v3;
	v4 =	vld [tilespmem:$0x1EB0]  }
0x182: {  	[tilespmem:$0x2E00] =	vst v1;
	v1 =	vadd.f32 v6, v5;
	v5 =	vld [tilespmem:$0x17C0]  }
0x183: {  	[tilespmem:$0x2E80] =	vst v3;
	v3 =	vld [tilespmem:$0x1DC0]  }
0x184: {  	v6 =	vld [tilespmem:$0x1840];
	[tilespmem:$0x2F00] =	vst v1;
	v1 =	vadd.f32 v8, v7  }
0x185: {  	[tilespmem:$0x2F90] =	vst v0;
	v7 =	vadd.f32 v10, v9;
	v8 =	vld [tilespmem:$0x1E40]  }
0x186: {  	v9 =	vld [tilespmem:$0x18C0];
	[tilespmem:$0x2E10] =	vst v1;
	v1 =	vadd.f32 v12, v11  }
0x187: {  	v10 =	vld [tilespmem:$0x17D0];
	[tilespmem:$0x2E90] =	vst v7  }
0x188: {  	v7 =	vld [tilespmem:$0x1EC0];
	[tilespmem:$0x2F10] =	vst v1;
	v1 =	vadd.f32 v14, v13  }
0x189: {  	[tilespmem:$0x2FA0] =	vst v0;
	v11 =	vadd.f32 v16, v15;
	v12 =	vld [tilespmem:$0x1DD0]  }
0x18a: {  	v16 =	vld [tilespmem:$0x1ED0];
	[tilespmem:$0x2E20] =	vst v1;
	v1 =	vadd.f32 v18, v17  }
0x18b: {  	v13 =	vld [tilespmem:$0x1850];
	[tilespmem:$0x2EA0] =	vst v11  }
0x18c: {  	v11 =	vld [tilespmem:$0x1E50];
	[tilespmem:$0x2F20] =	vst v1;
	v1 =	vadd.f32 v20, v19  }
0x18d: {  	[tilespmem:$0x2FB0] =	vst v0;
	v14 =	vld [tilespmem:$0x18D0]  }
0x18e: {  	[tilespmem:$0x2E30] =	vst v1;
	v1 =	vadd.f32 v4, v2;
	v2 =	vld [tilespmem:$0x17E0]  }
0x18f: {  	[tilespmem:$0x2FC0] =	vst v0;
	v4 =	vld [tilespmem:$0x1DE0]  }
0x190: {  	[tilespmem:$0x2F30] =	vst v1;
	v1 =	vadd.f32 v3, v5;
	v3 =	vld [tilespmem:$0x1860]  }
0x191: {  	[tilespmem:$0x2FD0] =	vst v0;
	v5 =	vadd.f32 v8, v6;
	v6 =	vld [tilespmem:$0x1E60]  }
0x192: {  	v8 =	vld [tilespmem:$0x17F0];
	[tilespmem:$0x2E40] =	vst v1;
	v1 =	vadd.f32 v7, v9  }
0x193: {  	v7 =	vld [tilespmem:$0x18E0];
	[tilespmem:$0x2EC0] =	vst v5  }
0x194: {  	v5 =	vld [tilespmem:$0x1EE0];
	[tilespmem:$0x2F40] =	vst v1;
	v1 =	vadd.f32 v12, v10  }
0x195: {  	[tilespmem:$0x2FE0] =	vst v0;
	v9 =	vadd.f32 v11, v13;
	v11 =	vld [tilespmem:$0x1870]  }
0x196: {  	v10 =	vld [tilespmem:$0x1DF0];
	[tilespmem:$0x2E50] =	vst v1;
	v1 =	vadd.f32 v16, v14  }
0x197: {  	[tilespmem:$0x2ED0] =	vst v9;
	v9 =	vld [tilespmem:$0x1E70]  }
0x198: {  	[tilespmem:$0x2F50] =	vst v1;
	v1 =	vadd.f32 v4, v2;
	v2 =	vld [tilespmem:$0x18F0]  }
0x199: {  	[tilespmem:$0x2FF0] =	vst v0;
	v15 =	vadd.f32 v22, v21;
	v4 =	vld [tilespmem:$0x1EF0]  }
0x19a: {  	[tilespmem:$0x2E60] =	vst v1;
	v1 =	vadd.f32 v5, v7  }
0x19b: {  	[tilespmem:$0x2EB0] =	vst v15;
	v3 =	vadd.f32 v6, v3  }
0x19c: {  	[tilespmem:$0x2F60] =	vst v1;
	v1 =	vadd.f32 v10, v8  }
0x19d: {  	[tilespmem:$0x2EE0] =	vst v3;
	v3 =	vadd.f32 v9, v11  }
0x19e: {  	[tilespmem:$0x2E70] =	vst v1;
	v1 =	vadd.f32 v4, v2  }
0x19f: {  	[tilespmem:$0x2EF0] =	vst v3  }
0x1a0: {  	s31 =	simm.s32 $0x0;
	[tilespmem:$0x2F70] =	vst v1  }
0x1a1: {  	v1 =	vld [tilespmem:s31+$0x2A80];
	_ =	sdelay $0x4  }
0x1a2: {  	v1 =	vmul.f32 $5.000000000e-01, v1;
	_ =	sdelay $0x1  }
0x1a3: {  	v2 =	vmul.f32 v1, v1;
	_ =	sdelay $0x1  }
0x1a4: {  	v3 =	vmul.f32 $2.755731880e-06, v2  }
0x1a5: {  	s29 =	simm.s32 $0x10  }
0x1a6: {  	v4 =	vld [tilespmem:s29+$0x2A80];
	v5 =	vmul.f32 $2.480158760e-05, v2;
	v3 =	vadd.f32 $-1.984127010e-04, v3;
	_ =	sdelay $0x1  }
0x1a7: {  	v5 =	vadd.f32 $-1.388888920e-03, v5;
	v3 =	vmul.f32 v3, v2;
	_ =	sdelay $0x1  }
0x1a8: {  	v5 =	vmul.f32 v5, v2;
	v3 =	vadd.f32 $8.333333770e-03, v3  }
0x1a9: {  	v6 =	vmul.f32 $5.000000000e-01, v4  }
0x1aa: {  	v4 =	vadd.f32 $4.166666790e-02, v5;
	v3 =	vmul.f32 v3, v2  }
0x1ab: {  	v7 =	vmul.f32 v6, v6  }
0x1ac: {  	v4 =	vmul.f32 v4, v2;
	v3 =	vadd.f32 $-1.666666720e-01, v3  }
0x1ad: {  	s28 =	simm.s32 $0x20;
	v15 =	vld [tilespmem:s31+$0x2400];
	v5 =	vmul.f32 $2.755731880e-06, v7  }
0x1ae: {  	v8 =	vld [tilespmem:s28+$0x2A80];
	v4 =	vadd.f32 $-5.000000000e-01, v4;
	v3 =	vmul.f32 v3, v2  }
0x1af: {  	v12 =	vld [tilespmem:s31+$0x2580];
	v10 =	vmul.f32 $2.480158760e-05, v7;
	v5 =	vadd.f32 $-1.984127010e-04, v5  }
0x1b0: {  	v2 =	vmul.f32 v4, v2;
	v3 =	vadd.f32 $1.000000000e+00, v3  }
0x1b1: {  	v9 =	vld [tilespmem:s31+$0x2500];
	v4 =	vadd.f32 $-1.388888920e-03, v10;
	v10 =	vmul.f32 v5, v7  }
0x1b2: {  	v17 =	vld [tilespmem:s31+$0x2480];
	v11 =	vadd.f32 $1.000000000e+00, v2;
	v16 =	vmul.f32 v3, v1  }
0x1b3: {  	v2 =	vmul.f32 v4, v7;
	v3 =	vmul.f32 $5.000000000e-01, v8;
	v8 =	vadd.f32 $8.333333770e-03, v10  }
0x1b4: {  	v5 =	vld [tilespmem:s29+$0x2480];
	v18 =	vmul.f32 v11, v12;
	v19 =	vmul.f32 v16, v15  }
0x1b5: {  	v4 =	vld [tilespmem:s29+$0x2500];
	v20 =	vadd.f32 $4.166666790e-02, v2;
	v8 =	vmul.f32 v8, v7;
	v14 =	vmul.f32 v16, v12  }
0x1b6: {  	v2 =	vld [tilespmem:s28+$0x2500];
	v10 =	vmul.f32 v3, v3;
	v13 =	vmul.f32 v16, v9;
	v19 =	vadd.f32 v19, v18  }
0x1b7: {  	v1 =	vld [tilespmem:s28+$0x2480];
	v20 =	vmul.f32 v20, v7;
	v12 =	vmul.f32 v16, v17;
	v21 =	vadd.f32 $-1.666666720e-01, v8  }
0x1b8: {  	s30 =	simm.s32 $0x30;
	v16 =	vmul.f32 v11, v15;
	v17 =	vmul.f32 v11, v17;
	v8 =	vld [tilespmem:s29+$0x2400];
	[tilespmem:s31+$0x3780] =	vst v19  }
0x1b9: {  	s4 =	simm.s32 $0x100;
	v18 =	vmul.f32 $2.755731880e-06, v10;
	v19 =	vadd.f32 $-5.000000000e-01, v20;
	v20 =	vmul.f32 v21, v7;
	v15 =	vld [tilespmem:s30+$0x2A80]  }
.LBB2_23:
0x1ba: {  	p0 =	sne.s32 s4, $0x1C0  }
0x1bb: {  	v21 =	vmul.f32 $2.480158760e-05, v10;
	v18 =	vadd.f32 $-1.984127010e-04, v18;
	v22 =	vld [tilespmem:s29+$0x2580];
	v23 =	vmul.f32 v11, v9;
	v9 =	vmovc v4;
	v4 =	vmovc v2  }
0x1bc: {  	v14 =	vsub.f32 v16, v14;
	v24 =	vld [tilespmem:s30+$0x2480];
	v11 =	vmul.f32 v19, v7;
	v19 =	vadd.f32 $1.000000000e+00, v20;
	v7 =	vmovc v10  }
0x1bd: {  	v13 =	vadd.f32 v13, v17;
	v2 =	vld [tilespmem:s30+$0x2500];
	v10 =	vadd.f32 $-1.388888920e-03, v21;
	v16 =	vmul.f32 v18, v7  }
0x1be: {  	v12 =	vsub.f32 v23, v12;
	v11 =	vadd.f32 $1.000000000e+00, v11;
	v17 =	vmul.f32 v19, v6;
	[tilespmem:s31+$0x3600] =	vst v14;
	v6 =	vmovc v3  }
0x1bf: {  	v3 =	vmul.f32 $5.000000000e-01, v15;
	v10 =	vmul.f32 v10, v7;
	v14 =	vadd.f32 $8.333333770e-03, v16;
	[tilespmem:s31+$0x3680] =	vst v13  }
0x1c0: {  	v15 =	vmul.f32 v11, v22;
	v16 =	vmul.f32 v17, v8;
	[tilespmem:s31+$0x3700] =	vst v12;
	s31 =	smov.u32 s29;
	s29 =	smov.u32 s28;
	s28 =	smov.u32 s30  }
.Ltmp11:
0x1c1: {  	v12 =	vadd.f32 $4.166666790e-02, v10;
	v18 =	vmul.f32 v14, v7;
	v14 =	vmul.f32 v17, v22;
	(pc) =	sbr.rel @p0 .LBB2_23-.Ltmp11, $4  }
0x1c2: {  	v13 =	vmul.f32 v17, v9;
	v10 =	vmul.f32 v3, v3;
	v15 =	vadd.f32 v16, v15  }
0x1c3: {  	v19 =	vmul.f32 v12, v7;
	v20 =	vadd.f32 $-1.666666720e-01, v18;
	v12 =	vmul.f32 v17, v5  }
0x1c4: {  	s30 =	sshra.s32 s4, $0x2;
	v16 =	vmul.f32 v11, v8;
	v18 =	vmul.f32 $2.755731880e-06, v10;
	v8 =	vld [tilespmem:s29+$0x2400];
	[tilespmem:s31+$0x3780] =	vst v15  }
0x1c5: {  	s4 =	sadd.s32 $0x40, s4;
	v17 =	vmul.f32 v11, v5;
	v5 =	vmovc v1;
	v1 =	vmovc v24;
	v15 =	vld [tilespmem:s30+$0x2A80];
	v19 =	vadd.f32 $-5.000000000e-01, v19;
	v20 =	vmul.f32 v20, v7  }
0x1c6: {  	v21 =	vmul.f32 $2.480158760e-05, v10  }
0x1c7: {  	v18 =	vadd.f32 $-1.984127010e-04, v18;
	v22 =	vld [tilespmem:s29+$0x2580];
	v9 =	vmul.f32 v11, v9  }
0x1c8: {  	v7 =	vmul.f32 v19, v7;
	v11 =	vadd.f32 $1.000000000e+00, v20;
	v19 =	vadd.f32 $-1.388888920e-03, v21  }
0x1c9: {  	v14 =	vsub.f32 v16, v14;
	v13 =	vadd.f32 v13, v17;
	v16 =	vmul.f32 v18, v10  }
0x1ca: {  	v7 =	vadd.f32 $1.000000000e+00, v7;
	v6 =	vmul.f32 v11, v6;
	v11 =	vmul.f32 v19, v10  }
0x1cb: {  	v17 =	vld [tilespmem:s30+$0x2480];
	v9 =	vsub.f32 v9, v12;
	v12 =	vmul.f32 $5.000000000e-01, v15;
	v15 =	vadd.f32 $8.333333770e-03, v16  }
0x1cc: {  	v18 =	vld [tilespmem:s30+$0x2500];
	[tilespmem:s31+$0x3600] =	vst v14;
	v14 =	vmul.f32 v7, v22;
	v16 =	vmul.f32 v6, v8;
	v11 =	vadd.f32 $4.166666790e-02, v11  }
0x1cd: {  	[tilespmem:s31+$0x3680] =	vst v13;
	v13 =	vmul.f32 v15, v10;
	v15 =	vmul.f32 v12, v12  }
0x1ce: {  	[tilespmem:s31+$0x3700] =	vst v9;
	v9 =	vmul.f32 v6, v22;
	v14 =	vadd.f32 v16, v14;
	v11 =	vmul.f32 v11, v10  }
0x1cf: {  	v8 =	vmul.f32 v7, v8;
	v13 =	vadd.f32 $-1.666666720e-01, v13;
	v19 =	vmul.f32 $2.755731880e-06, v15  }
0x1d0: {  	v20 =	vld [tilespmem:s28+$0x2400];
	v16 =	vmul.f32 v6, v4;
	v6 =	vmul.f32 v6, v5;
	[tilespmem:s29+$0x3780] =	vst v14;
	v11 =	vadd.f32 $-5.000000000e-01, v11  }
0x1d1: {  	v14 =	vmul.f32 $2.480158760e-05, v15;
	v13 =	vmul.f32 v13, v10;
	v19 =	vadd.f32 $-1.984127010e-04, v19;
	v21 =	vld [tilespmem:s28+$0x2580]  }
0x1d2: {  	v5 =	vmul.f32 v7, v5;
	v10 =	vmul.f32 v11, v10  }
0x1d3: {  	v11 =	vadd.f32 $1.000000000e+00, v13;
	v13 =	vadd.f32 $-1.388888920e-03, v14;
	v14 =	vmul.f32 v19, v15  }
0x1d4: {  	v4 =	vmul.f32 v7, v4;
	v7 =	vsub.f32 v8, v9;
	v8 =	vadd.f32 $1.000000000e+00, v10  }
0x1d5: {  	v3 =	vmul.f32 v11, v3;
	v9 =	vmul.f32 v13, v15;
	v10 =	vadd.f32 $8.333333770e-03, v14  }
0x1d6: {  	v5 =	vadd.f32 v16, v5;
	v4 =	vsub.f32 v4, v6;
	v6 =	vmul.f32 v8, v21  }
0x1d7: {  	[tilespmem:s29+$0x3600] =	vst v7;
	v7 =	vmul.f32 v3, v20;
	v9 =	vadd.f32 $4.166666790e-02, v9;
	v10 =	vmul.f32 v10, v15  }
0x1d8: {  	[tilespmem:s29+$0x3680] =	vst v5  }
0x1d9: {  	[tilespmem:s29+$0x3700] =	vst v4;
	v4 =	vadd.f32 v7, v6;
	v5 =	vmul.f32 v9, v15;
	v6 =	vadd.f32 $-1.666666720e-01, v10;
	_ =	sdelay $0x1  }
0x1da: {  	v7 =	vld [tilespmem:s30+$0x2400];
	[tilespmem:s28+$0x3780] =	vst v4;
	v4 =	vadd.f32 $-5.000000000e-01, v5;
	v5 =	vmul.f32 v6, v15  }
0x1db: {  	v6 =	vld [tilespmem:s30+$0x2580]  }
0x1dc: {  	v11 =	vmul.f32 v8, v20;
	v4 =	vmul.f32 v4, v15;
	v5 =	vadd.f32 $1.000000000e+00, v5  }
0x1dd: {  	v13 =	vmul.f32 v8, v1;
	v9 =	vmul.f32 v3, v21  }
0x1de: {  	v10 =	vmul.f32 v3, v2;
	v4 =	vadd.f32 $1.000000000e+00, v4;
	v5 =	vmul.f32 v5, v12  }
0x1df: {  	v1 =	vmul.f32 v3, v1;
	v2 =	vmul.f32 v8, v2;
	v3 =	vsub.f32 v11, v9  }
0x1e0: {  	v8 =	vadd.f32 v10, v13;
	v9 =	vmul.f32 v4, v6;
	v10 =	vmul.f32 v5, v7  }
0x1e1: {  	v1 =	vsub.f32 v2, v1;
	[tilespmem:s28+$0x3600] =	vst v3;
	v2 =	vmul.f32 v5, v6;
	v3 =	vmul.f32 v4, v7  }
0x1e2: {  	[tilespmem:s28+$0x3680] =	vst v8;
	v6 =	vmul.f32 v5, v18;
	v8 =	vmul.f32 v4, v17;
	v7 =	vadd.f32 v10, v9  }
0x1e3: {  	[tilespmem:s28+$0x3700] =	vst v1;
	v1 =	vmul.f32 v5, v17;
	v4 =	vmul.f32 v4, v18;
	v2 =	vsub.f32 v3, v2  }
0x1e4: {  	v3 =	vadd.f32 v6, v8;
	[tilespmem:s30+$0x3780] =	vst v7  }
0x1e5: {  	v1 =	vsub.f32 v4, v1;
	[tilespmem:s30+$0x3600] =	vst v2  }
0x1e6: {  	[tilespmem:s30+$0x3680] =	vst v3  }
0x1e7: {  	[tilespmem:s30+$0x3700] =	vst v1  }
0x1e8: {  	v1 =	vld [tilespmem:$0x1900]  }
0x1e9: {  	v2 =	vld [tilespmem:$0x1F00]  }
0x1ea: {  	v3 =	vld [tilespmem:$0x1980]  }
0x1eb: {  	v4 =	vld [tilespmem:$0x1F80]  }
0x1ec: {  	v5 =	vld [tilespmem:$0x1A00]  }
0x1ed: {  	v6 =	vld [tilespmem:$0x2000]  }
0x1ee: {  	v7 =	vld [tilespmem:$0x1910]  }
0x1ef: {  	v8 =	vld [tilespmem:$0x1F10]  }
0x1f0: {  	v9 =	vld [tilespmem:$0x1990]  }
0x1f1: {  	v10 =	vld [tilespmem:$0x1F90]  }
0x1f2: {  	v11 =	vld [tilespmem:$0x1A10]  }
0x1f3: {  	v12 =	vld [tilespmem:$0x2010]  }
0x1f4: {  	v13 =	vld [tilespmem:$0x1920]  }
0x1f5: {  	v14 =	vld [tilespmem:$0x1F20]  }
0x1f6: {  	v15 =	vld [tilespmem:$0x19A0]  }
0x1f7: {  	v16 =	vld [tilespmem:$0x1FA0]  }
0x1f8: {  	v17 =	vld [tilespmem:$0x1A20]  }
0x1f9: {  	v18 =	vld [tilespmem:$0x2020]  }
0x1fa: {  	v19 =	vld [tilespmem:$0x1930]  }
0x1fb: {  	v20 =	vld [tilespmem:$0x1F30]  }
0x1fc: {  	v21 =	vld [tilespmem:$0x19B0]  }
0x1fd: {  	v22 =	vld [tilespmem:$0x1FB0]  }
0x1fe: {  	v1 =	vadd.f32 v2, v1;
	v2 =	vld [tilespmem:$0x1A30]  }
0x1ff: {  	[tilespmem:$0x3180] =	vst v0;
	v3 =	vadd.f32 v4, v3;
	v4 =	vld [tilespmem:$0x2030]  }
0x200: {  	[tilespmem:$0x3000] =	vst v1;
	v1 =	vadd.f32 v6, v5;
	v5 =	vld [tilespmem:$0x1940]  }
0x201: {  	[tilespmem:$0x3080] =	vst v3;
	v3 =	vld [tilespmem:$0x1F40]  }
0x202: {  	v6 =	vld [tilespmem:$0x19C0];
	[tilespmem:$0x3100] =	vst v1;
	v1 =	vadd.f32 v8, v7  }
0x203: {  	[tilespmem:$0x3190] =	vst v0;
	v7 =	vadd.f32 v10, v9;
	v8 =	vld [tilespmem:$0x1FC0]  }
0x204: {  	v9 =	vld [tilespmem:$0x1A40];
	[tilespmem:$0x3010] =	vst v1;
	v1 =	vadd.f32 v12, v11  }
0x205: {  	v10 =	vld [tilespmem:$0x1950];
	[tilespmem:$0x3090] =	vst v7  }
0x206: {  	v7 =	vld [tilespmem:$0x2040];
	[tilespmem:$0x3110] =	vst v1;
	v1 =	vadd.f32 v14, v13  }
0x207: {  	[tilespmem:$0x31A0] =	vst v0;
	v11 =	vadd.f32 v16, v15;
	v12 =	vld [tilespmem:$0x1F50]  }
0x208: {  	v16 =	vld [tilespmem:$0x2050];
	[tilespmem:$0x3020] =	vst v1;
	v1 =	vadd.f32 v18, v17  }
0x209: {  	v13 =	vld [tilespmem:$0x19D0];
	[tilespmem:$0x30A0] =	vst v11  }
0x20a: {  	v11 =	vld [tilespmem:$0x1FD0];
	[tilespmem:$0x3120] =	vst v1;
	v1 =	vadd.f32 v20, v19  }
0x20b: {  	[tilespmem:$0x31B0] =	vst v0;
	v14 =	vld [tilespmem:$0x1A50]  }
0x20c: {  	[tilespmem:$0x3030] =	vst v1;
	v1 =	vadd.f32 v4, v2;
	v2 =	vld [tilespmem:$0x1960]  }
0x20d: {  	[tilespmem:$0x31C0] =	vst v0;
	v4 =	vld [tilespmem:$0x1F60]  }
0x20e: {  	[tilespmem:$0x3130] =	vst v1;
	v1 =	vadd.f32 v3, v5;
	v3 =	vld [tilespmem:$0x19E0]  }
0x20f: {  	[tilespmem:$0x31D0] =	vst v0;
	v5 =	vadd.f32 v8, v6;
	v6 =	vld [tilespmem:$0x1FE0]  }
0x210: {  	v8 =	vld [tilespmem:$0x1970];
	[tilespmem:$0x3040] =	vst v1;
	v1 =	vadd.f32 v7, v9  }
0x211: {  	v7 =	vld [tilespmem:$0x1A60];
	[tilespmem:$0x30C0] =	vst v5  }
0x212: {  	v5 =	vld [tilespmem:$0x2060];
	[tilespmem:$0x3140] =	vst v1;
	v1 =	vadd.f32 v12, v10  }
0x213: {  	[tilespmem:$0x31E0] =	vst v0;
	v9 =	vadd.f32 v11, v13;
	v11 =	vld [tilespmem:$0x19F0]  }
0x214: {  	v10 =	vld [tilespmem:$0x1F70];
	[tilespmem:$0x3050] =	vst v1;
	v1 =	vadd.f32 v16, v14  }
0x215: {  	[tilespmem:$0x30D0] =	vst v9;
	v9 =	vld [tilespmem:$0x1FF0]  }
0x216: {  	[tilespmem:$0x3150] =	vst v1;
	v1 =	vadd.f32 v4, v2;
	v2 =	vld [tilespmem:$0x1A70]  }
0x217: {  	[tilespmem:$0x31F0] =	vst v0;
	v15 =	vadd.f32 v22, v21;
	v4 =	vld [tilespmem:$0x2070]  }
0x218: {  	[tilespmem:$0x3060] =	vst v1;
	v1 =	vadd.f32 v5, v7  }
0x219: {  	[tilespmem:$0x30B0] =	vst v15;
	v3 =	vadd.f32 v6, v3  }
0x21a: {  	[tilespmem:$0x3160] =	vst v1;
	v1 =	vadd.f32 v10, v8  }
0x21b: {  	[tilespmem:$0x30E0] =	vst v3;
	v3 =	vadd.f32 v9, v11  }
0x21c: {  	[tilespmem:$0x3070] =	vst v1;
	v1 =	vadd.f32 v4, v2  }
0x21d: {  	[tilespmem:$0x30F0] =	vst v3  }
0x21e: {  	s31 =	simm.s32 $0x0;
	[tilespmem:$0x3170] =	vst v1  }
0x21f: {  	v1 =	vld [tilespmem:s31+$0x2B00];
	_ =	sdelay $0x4  }
0x220: {  	v1 =	vmul.f32 $5.000000000e-01, v1;
	_ =	sdelay $0x1  }
0x221: {  	v2 =	vmul.f32 v1, v1;
	_ =	sdelay $0x1  }
0x222: {  	v3 =	vmul.f32 $2.755731880e-06, v2  }
0x223: {  	s29 =	simm.s32 $0x10  }
0x224: {  	v4 =	vld [tilespmem:s29+$0x2B00];
	v5 =	vmul.f32 $2.480158760e-05, v2;
	v3 =	vadd.f32 $-1.984127010e-04, v3;
	_ =	sdelay $0x1  }
0x225: {  	v5 =	vadd.f32 $-1.388888920e-03, v5;
	v3 =	vmul.f32 v3, v2;
	_ =	sdelay $0x1  }
0x226: {  	v5 =	vmul.f32 v5, v2;
	v3 =	vadd.f32 $8.333333770e-03, v3  }
0x227: {  	v6 =	vmul.f32 $5.000000000e-01, v4  }
0x228: {  	v4 =	vadd.f32 $4.166666790e-02, v5;
	v3 =	vmul.f32 v3, v2  }
0x229: {  	v7 =	vmul.f32 v6, v6  }
0x22a: {  	v4 =	vmul.f32 v4, v2;
	v3 =	vadd.f32 $-1.666666720e-01, v3  }
0x22b: {  	s28 =	simm.s32 $0x20;
	v15 =	vld [tilespmem:s31+$0x2600];
	v5 =	vmul.f32 $2.755731880e-06, v7  }
0x22c: {  	v8 =	vld [tilespmem:s28+$0x2B00];
	v4 =	vadd.f32 $-5.000000000e-01, v4;
	v3 =	vmul.f32 v3, v2  }
0x22d: {  	v12 =	vld [tilespmem:s31+$0x2780];
	v10 =	vmul.f32 $2.480158760e-05, v7;
	v5 =	vadd.f32 $-1.984127010e-04, v5  }
0x22e: {  	v2 =	vmul.f32 v4, v2;
	v3 =	vadd.f32 $1.000000000e+00, v3  }
0x22f: {  	v9 =	vld [tilespmem:s31+$0x2700];
	v4 =	vadd.f32 $-1.388888920e-03, v10;
	v10 =	vmul.f32 v5, v7  }
0x230: {  	v17 =	vld [tilespmem:s31+$0x2680];
	v11 =	vadd.f32 $1.000000000e+00, v2;
	v16 =	vmul.f32 v3, v1  }
0x231: {  	v2 =	vmul.f32 v4, v7;
	v3 =	vmul.f32 $5.000000000e-01, v8;
	v8 =	vadd.f32 $8.333333770e-03, v10  }
0x232: {  	v5 =	vld [tilespmem:s29+$0x2680];
	v18 =	vmul.f32 v11, v12;
	v19 =	vmul.f32 v16, v15  }
0x233: {  	v4 =	vld [tilespmem:s29+$0x2700];
	v20 =	vadd.f32 $4.166666790e-02, v2;
	v8 =	vmul.f32 v8, v7;
	v14 =	vmul.f32 v16, v12  }
0x234: {  	v2 =	vld [tilespmem:s28+$0x2700];
	v10 =	vmul.f32 v3, v3;
	v13 =	vmul.f32 v16, v9;
	v19 =	vadd.f32 v19, v18  }
0x235: {  	v1 =	vld [tilespmem:s28+$0x2680];
	v20 =	vmul.f32 v20, v7;
	v12 =	vmul.f32 v16, v17;
	v21 =	vadd.f32 $-1.666666720e-01, v8  }
0x236: {  	s30 =	simm.s32 $0x30;
	v16 =	vmul.f32 v11, v15;
	v17 =	vmul.f32 v11, v17;
	v8 =	vld [tilespmem:s29+$0x2600];
	[tilespmem:s31+$0x3980] =	vst v19  }
0x237: {  	s4 =	simm.s32 $0x100;
	v18 =	vmul.f32 $2.755731880e-06, v10;
	v19 =	vadd.f32 $-5.000000000e-01, v20;
	v20 =	vmul.f32 v21, v7;
	v15 =	vld [tilespmem:s30+$0x2B00]  }
.LBB2_25:
0x238: {  	p0 =	sne.s32 s4, $0x1C0  }
0x239: {  	v21 =	vmul.f32 $2.480158760e-05, v10;
	v18 =	vadd.f32 $-1.984127010e-04, v18;
	v22 =	vld [tilespmem:s29+$0x2780];
	v23 =	vmul.f32 v11, v9;
	v9 =	vmovc v4;
	v4 =	vmovc v2  }
0x23a: {  	v14 =	vsub.f32 v16, v14;
	v24 =	vld [tilespmem:s30+$0x2680];
	v11 =	vmul.f32 v19, v7;
	v19 =	vadd.f32 $1.000000000e+00, v20;
	v7 =	vmovc v10  }
0x23b: {  	v13 =	vadd.f32 v13, v17;
	v2 =	vld [tilespmem:s30+$0x2700];
	v10 =	vadd.f32 $-1.388888920e-03, v21;
	v16 =	vmul.f32 v18, v7  }
0x23c: {  	v12 =	vsub.f32 v23, v12;
	v11 =	vadd.f32 $1.000000000e+00, v11;
	v17 =	vmul.f32 v19, v6;
	[tilespmem:s31+$0x3800] =	vst v14;
	v6 =	vmovc v3  }
0x23d: {  	v3 =	vmul.f32 $5.000000000e-01, v15;
	v10 =	vmul.f32 v10, v7;
	v14 =	vadd.f32 $8.333333770e-03, v16;
	[tilespmem:s31+$0x3880] =	vst v13  }
0x23e: {  	v15 =	vmul.f32 v11, v22;
	v16 =	vmul.f32 v17, v8;
	[tilespmem:s31+$0x3900] =	vst v12;
	s31 =	smov.u32 s29;
	s29 =	smov.u32 s28;
	s28 =	smov.u32 s30  }
.Ltmp12:
0x23f: {  	v12 =	vadd.f32 $4.166666790e-02, v10;
	v18 =	vmul.f32 v14, v7;
	v14 =	vmul.f32 v17, v22;
	(pc) =	sbr.rel @p0 .LBB2_25-.Ltmp12, $4  }
0x240: {  	v13 =	vmul.f32 v17, v9;
	v10 =	vmul.f32 v3, v3;
	v15 =	vadd.f32 v16, v15  }
0x241: {  	v19 =	vmul.f32 v12, v7;
	v20 =	vadd.f32 $-1.666666720e-01, v18;
	v12 =	vmul.f32 v17, v5  }
0x242: {  	s30 =	sshra.s32 s4, $0x2;
	v16 =	vmul.f32 v11, v8;
	v18 =	vmul.f32 $2.755731880e-06, v10;
	v8 =	vld [tilespmem:s29+$0x2600];
	[tilespmem:s31+$0x3980] =	vst v15  }
0x243: {  	s4 =	sadd.s32 $0x40, s4;
	v17 =	vmul.f32 v11, v5;
	v5 =	vmovc v1;
	v1 =	vmovc v24;
	v15 =	vld [tilespmem:s30+$0x2B00];
	v19 =	vadd.f32 $-5.000000000e-01, v19;
	v20 =	vmul.f32 v20, v7  }
0x244: {  	v21 =	vmul.f32 $2.480158760e-05, v10  }
0x245: {  	v18 =	vadd.f32 $-1.984127010e-04, v18;
	v22 =	vld [tilespmem:s29+$0x2780];
	v9 =	vmul.f32 v11, v9  }
0x246: {  	v7 =	vmul.f32 v19, v7;
	v11 =	vadd.f32 $1.000000000e+00, v20;
	v19 =	vadd.f32 $-1.388888920e-03, v21  }
0x247: {  	v14 =	vsub.f32 v16, v14;
	v13 =	vadd.f32 v13, v17;
	v16 =	vmul.f32 v18, v10  }
0x248: {  	v7 =	vadd.f32 $1.000000000e+00, v7;
	v6 =	vmul.f32 v11, v6;
	v11 =	vmul.f32 v19, v10  }
0x249: {  	v17 =	vld [tilespmem:s30+$0x2680];
	v9 =	vsub.f32 v9, v12;
	v12 =	vmul.f32 $5.000000000e-01, v15;
	v15 =	vadd.f32 $8.333333770e-03, v16  }
0x24a: {  	v18 =	vld [tilespmem:s30+$0x2700];
	[tilespmem:s31+$0x3800] =	vst v14;
	v14 =	vmul.f32 v7, v22;
	v16 =	vmul.f32 v6, v8;
	v11 =	vadd.f32 $4.166666790e-02, v11  }
0x24b: {  	[tilespmem:s31+$0x3880] =	vst v13;
	v13 =	vmul.f32 v15, v10;
	v15 =	vmul.f32 v12, v12  }
0x24c: {  	[tilespmem:s31+$0x3900] =	vst v9;
	v9 =	vmul.f32 v6, v22;
	v14 =	vadd.f32 v16, v14;
	v11 =	vmul.f32 v11, v10  }
0x24d: {  	v8 =	vmul.f32 v7, v8;
	v13 =	vadd.f32 $-1.666666720e-01, v13;
	v19 =	vmul.f32 $2.755731880e-06, v15  }
0x24e: {  	v20 =	vld [tilespmem:s28+$0x2600];
	v16 =	vmul.f32 v6, v4;
	v6 =	vmul.f32 v6, v5;
	[tilespmem:s29+$0x3980] =	vst v14;
	v11 =	vadd.f32 $-5.000000000e-01, v11  }
0x24f: {  	v14 =	vmul.f32 $2.480158760e-05, v15;
	v13 =	vmul.f32 v13, v10;
	v19 =	vadd.f32 $-1.984127010e-04, v19;
	v21 =	vld [tilespmem:s28+$0x2780]  }
0x250: {  	v5 =	vmul.f32 v7, v5;
	v10 =	vmul.f32 v11, v10  }
0x251: {  	v11 =	vadd.f32 $1.000000000e+00, v13;
	v13 =	vadd.f32 $-1.388888920e-03, v14;
	v14 =	vmul.f32 v19, v15  }
0x252: {  	v4 =	vmul.f32 v7, v4;
	v7 =	vsub.f32 v8, v9;
	v8 =	vadd.f32 $1.000000000e+00, v10  }
0x253: {  	v3 =	vmul.f32 v11, v3;
	v9 =	vmul.f32 v13, v15;
	v10 =	vadd.f32 $8.333333770e-03, v14  }
0x254: {  	v5 =	vadd.f32 v16, v5;
	v4 =	vsub.f32 v4, v6;
	v6 =	vmul.f32 v8, v21  }
0x255: {  	[tilespmem:s29+$0x3800] =	vst v7;
	v7 =	vmul.f32 v3, v20;
	v9 =	vadd.f32 $4.166666790e-02, v9;
	v10 =	vmul.f32 v10, v15  }
0x256: {  	[tilespmem:s29+$0x3880] =	vst v5  }
0x257: {  	[tilespmem:s29+$0x3900] =	vst v4;
	v4 =	vadd.f32 v7, v6;
	v5 =	vmul.f32 v9, v15;
	v6 =	vadd.f32 $-1.666666720e-01, v10;
	_ =	sdelay $0x1  }
0x258: {  	v7 =	vld [tilespmem:s30+$0x2600];
	[tilespmem:s28+$0x3980] =	vst v4;
	v4 =	vadd.f32 $-5.000000000e-01, v5;
	v5 =	vmul.f32 v6, v15  }
0x259: {  	v6 =	vld [tilespmem:s30+$0x2780]  }
0x25a: {  	v11 =	vmul.f32 v8, v20;
	v4 =	vmul.f32 v4, v15;
	v5 =	vadd.f32 $1.000000000e+00, v5  }
0x25b: {  	v13 =	vmul.f32 v8, v1;
	v9 =	vmul.f32 v3, v21  }
0x25c: {  	v10 =	vmul.f32 v3, v2;
	v4 =	vadd.f32 $1.000000000e+00, v4;
	v5 =	vmul.f32 v5, v12  }
0x25d: {  	v1 =	vmul.f32 v3, v1;
	v2 =	vmul.f32 v8, v2;
	v3 =	vsub.f32 v11, v9  }
0x25e: {  	v8 =	vadd.f32 v10, v13;
	v9 =	vmul.f32 v4, v6;
	v10 =	vmul.f32 v5, v7  }
0x25f: {  	v1 =	vsub.f32 v2, v1;
	[tilespmem:s28+$0x3800] =	vst v3;
	v2 =	vmul.f32 v5, v6;
	v3 =	vmul.f32 v4, v7  }
0x260: {  	[tilespmem:s28+$0x3880] =	vst v8;
	v6 =	vmul.f32 v5, v18;
	v8 =	vmul.f32 v4, v17;
	v7 =	vadd.f32 v10, v9  }
0x261: {  	[tilespmem:s28+$0x3900] =	vst v1;
	v1 =	vmul.f32 v5, v17;
	v4 =	vmul.f32 v4, v18;
	v2 =	vsub.f32 v3, v2  }
0x262: {  	v3 =	vadd.f32 v6, v8;
	[tilespmem:s30+$0x3980] =	vst v7  }
0x263: {  	v1 =	vsub.f32 v4, v1;
	[tilespmem:s30+$0x3800] =	vst v2  }
0x264: {  	[tilespmem:s30+$0x3880] =	vst v3  }
0x265: {  	[tilespmem:s30+$0x3900] =	vst v1  }
0x266: {  	v1 =	vld [tilespmem:$0x1A80]  }
0x267: {  	v2 =	vld [tilespmem:$0x2080]  }
0x268: {  	v3 =	vld [tilespmem:$0x1B00]  }
0x269: {  	v4 =	vld [tilespmem:$0x2100]  }
0x26a: {  	v5 =	vld [tilespmem:$0x1B80]  }
0x26b: {  	v6 =	vld [tilespmem:$0x2180]  }
0x26c: {  	v7 =	vld [tilespmem:$0x1A90]  }
0x26d: {  	v8 =	vld [tilespmem:$0x2090]  }
0x26e: {  	v9 =	vld [tilespmem:$0x1B10]  }
0x26f: {  	v10 =	vld [tilespmem:$0x2110]  }
0x270: {  	v11 =	vld [tilespmem:$0x1B90]  }
0x271: {  	v12 =	vld [tilespmem:$0x2190]  }
0x272: {  	v13 =	vld [tilespmem:$0x1AA0]  }
0x273: {  	v14 =	vld [tilespmem:$0x20A0]  }
0x274: {  	v15 =	vld [tilespmem:$0x1B20]  }
0x275: {  	v16 =	vld [tilespmem:$0x2120]  }
0x276: {  	v17 =	vld [tilespmem:$0x1BA0]  }
0x277: {  	v18 =	vld [tilespmem:$0x21A0]  }
0x278: {  	v19 =	vld [tilespmem:$0x1AB0]  }
0x279: {  	v20 =	vld [tilespmem:$0x20B0]  }
0x27a: {  	v21 =	vld [tilespmem:$0x1B30]  }
0x27b: {  	v22 =	vld [tilespmem:$0x2130]  }
0x27c: {  	v1 =	vadd.f32 v2, v1;
	v2 =	vld [tilespmem:$0x1BB0]  }
0x27d: {  	[tilespmem:$0x3380] =	vst v0;
	v3 =	vadd.f32 v4, v3;
	v4 =	vld [tilespmem:$0x21B0]  }
0x27e: {  	[tilespmem:$0x3200] =	vst v1;
	v1 =	vadd.f32 v6, v5;
	v5 =	vld [tilespmem:$0x1AC0]  }
0x27f: {  	[tilespmem:$0x3280] =	vst v3;
	v3 =	vld [tilespmem:$0x20C0]  }
0x280: {  	v6 =	vld [tilespmem:$0x1B40];
	[tilespmem:$0x3300] =	vst v1;
	v1 =	vadd.f32 v8, v7  }
0x281: {  	[tilespmem:$0x3390] =	vst v0;
	v7 =	vadd.f32 v10, v9;
	v8 =	vld [tilespmem:$0x2140]  }
0x282: {  	v9 =	vld [tilespmem:$0x1BC0];
	[tilespmem:$0x3210] =	vst v1;
	v1 =	vadd.f32 v12, v11  }
0x283: {  	v10 =	vld [tilespmem:$0x1AD0];
	[tilespmem:$0x3290] =	vst v7  }
0x284: {  	v7 =	vld [tilespmem:$0x21C0];
	[tilespmem:$0x3310] =	vst v1;
	v1 =	vadd.f32 v14, v13  }
0x285: {  	[tilespmem:$0x33A0] =	vst v0;
	v11 =	vadd.f32 v16, v15;
	v12 =	vld [tilespmem:$0x20D0]  }
0x286: {  	v16 =	vld [tilespmem:$0x21D0];
	[tilespmem:$0x3220] =	vst v1;
	v1 =	vadd.f32 v18, v17  }
0x287: {  	v13 =	vld [tilespmem:$0x1B50];
	[tilespmem:$0x32A0] =	vst v11  }
0x288: {  	v11 =	vld [tilespmem:$0x2150];
	[tilespmem:$0x3320] =	vst v1;
	v1 =	vadd.f32 v20, v19  }
0x289: {  	[tilespmem:$0x33B0] =	vst v0;
	v14 =	vld [tilespmem:$0x1BD0]  }
0x28a: {  	[tilespmem:$0x3230] =	vst v1;
	v1 =	vadd.f32 v4, v2;
	v2 =	vld [tilespmem:$0x1AE0]  }
0x28b: {  	[tilespmem:$0x33C0] =	vst v0;
	v4 =	vld [tilespmem:$0x20E0]  }
0x28c: {  	[tilespmem:$0x3330] =	vst v1;
	v1 =	vadd.f32 v3, v5;
	v3 =	vld [tilespmem:$0x1B60]  }
0x28d: {  	[tilespmem:$0x33D0] =	vst v0;
	v5 =	vadd.f32 v8, v6;
	v6 =	vld [tilespmem:$0x2160]  }
0x28e: {  	v8 =	vld [tilespmem:$0x1AF0];
	[tilespmem:$0x3240] =	vst v1;
	v1 =	vadd.f32 v7, v9  }
0x28f: {  	v7 =	vld [tilespmem:$0x1BE0];
	[tilespmem:$0x32C0] =	vst v5  }
0x290: {  	v5 =	vld [tilespmem:$0x21E0];
	[tilespmem:$0x3340] =	vst v1;
	v1 =	vadd.f32 v12, v10  }
0x291: {  	[tilespmem:$0x33E0] =	vst v0;
	v9 =	vadd.f32 v11, v13;
	v11 =	vld [tilespmem:$0x1B70]  }
0x292: {  	v10 =	vld [tilespmem:$0x20F0];
	[tilespmem:$0x3250] =	vst v1;
	v1 =	vadd.f32 v16, v14  }
0x293: {  	[tilespmem:$0x32D0] =	vst v9;
	v9 =	vld [tilespmem:$0x2170]  }
0x294: {  	[tilespmem:$0x3350] =	vst v1;
	v1 =	vadd.f32 v4, v2;
	v2 =	vld [tilespmem:$0x1BF0]  }
0x295: {  	[tilespmem:$0x33F0] =	vst v0;
	v15 =	vadd.f32 v22, v21;
	v4 =	vld [tilespmem:$0x21F0]  }
0x296: {  	[tilespmem:$0x3260] =	vst v1;
	v1 =	vadd.f32 v5, v7  }
0x297: {  	[tilespmem:$0x32B0] =	vst v15;
	v3 =	vadd.f32 v6, v3  }
0x298: {  	[tilespmem:$0x3360] =	vst v1;
	v1 =	vadd.f32 v10, v8  }
0x299: {  	[tilespmem:$0x32E0] =	vst v3;
	v3 =	vadd.f32 v9, v11  }
0x29a: {  	[tilespmem:$0x3270] =	vst v1;
	v1 =	vadd.f32 v4, v2  }
0x29b: {  	[tilespmem:$0x32F0] =	vst v3  }
0x29c: {  	s31 =	simm.s32 $0x0;
	[tilespmem:$0x3370] =	vst v1  }
0x29d: {  	v1 =	vld [tilespmem:s31+$0x2B80];
	_ =	sdelay $0x4  }
0x29e: {  	v1 =	vmul.f32 $5.000000000e-01, v1;
	_ =	sdelay $0x1  }
0x29f: {  	v2 =	vmul.f32 v1, v1;
	_ =	sdelay $0x1  }
0x2a0: {  	v3 =	vmul.f32 $2.755731880e-06, v2  }
0x2a1: {  	s29 =	simm.s32 $0x10  }
0x2a2: {  	v4 =	vld [tilespmem:s29+$0x2B80];
	v5 =	vmul.f32 $2.480158760e-05, v2;
	v3 =	vadd.f32 $-1.984127010e-04, v3;
	_ =	sdelay $0x1  }
0x2a3: {  	v5 =	vadd.f32 $-1.388888920e-03, v5;
	v3 =	vmul.f32 v3, v2;
	_ =	sdelay $0x1  }
0x2a4: {  	v5 =	vmul.f32 v5, v2;
	v3 =	vadd.f32 $8.333333770e-03, v3  }
0x2a5: {  	v6 =	vmul.f32 $5.000000000e-01, v4  }
0x2a6: {  	v4 =	vadd.f32 $4.166666790e-02, v5;
	v3 =	vmul.f32 v3, v2  }
0x2a7: {  	v7 =	vmul.f32 v6, v6  }
0x2a8: {  	v4 =	vmul.f32 v4, v2;
	v3 =	vadd.f32 $-1.666666720e-01, v3  }
0x2a9: {  	s28 =	simm.s32 $0x20;
	v15 =	vld [tilespmem:s31+$0x2800];
	v5 =	vmul.f32 $2.755731880e-06, v7  }
0x2aa: {  	v8 =	vld [tilespmem:s28+$0x2B80];
	v4 =	vadd.f32 $-5.000000000e-01, v4;
	v3 =	vmul.f32 v3, v2  }
0x2ab: {  	v12 =	vld [tilespmem:s31+$0x2980];
	v10 =	vmul.f32 $2.480158760e-05, v7;
	v5 =	vadd.f32 $-1.984127010e-04, v5  }
0x2ac: {  	v2 =	vmul.f32 v4, v2;
	v3 =	vadd.f32 $1.000000000e+00, v3  }
0x2ad: {  	v9 =	vld [tilespmem:s31+$0x2900];
	v4 =	vadd.f32 $-1.388888920e-03, v10;
	v10 =	vmul.f32 v5, v7  }
0x2ae: {  	v17 =	vld [tilespmem:s31+$0x2880];
	v11 =	vadd.f32 $1.000000000e+00, v2;
	v16 =	vmul.f32 v3, v1  }
0x2af: {  	v2 =	vmul.f32 v4, v7;
	v3 =	vmul.f32 $5.000000000e-01, v8;
	v8 =	vadd.f32 $8.333333770e-03, v10  }
0x2b0: {  	v5 =	vld [tilespmem:s29+$0x2880];
	v18 =	vmul.f32 v11, v12;
	v19 =	vmul.f32 v16, v15  }
0x2b1: {  	v4 =	vld [tilespmem:s29+$0x2900];
	v20 =	vadd.f32 $4.166666790e-02, v2;
	v8 =	vmul.f32 v8, v7;
	v14 =	vmul.f32 v16, v12  }
0x2b2: {  	v2 =	vld [tilespmem:s28+$0x2900];
	v10 =	vmul.f32 v3, v3;
	v13 =	vmul.f32 v16, v9;
	v19 =	vadd.f32 v19, v18  }
0x2b3: {  	v1 =	vld [tilespmem:s28+$0x2880];
	v20 =	vmul.f32 v20, v7;
	v12 =	vmul.f32 v16, v17;
	v21 =	vadd.f32 $-1.666666720e-01, v8  }
0x2b4: {  	s30 =	simm.s32 $0x30;
	v16 =	vmul.f32 v11, v15;
	v17 =	vmul.f32 v11, v17;
	v8 =	vld [tilespmem:s29+$0x2800];
	[tilespmem:s31+$0x3B80] =	vst v19  }
0x2b5: {  	s4 =	simm.s32 $0x100;
	v18 =	vmul.f32 $2.755731880e-06, v10;
	v19 =	vadd.f32 $-5.000000000e-01, v20;
	v20 =	vmul.f32 v21, v7;
	v15 =	vld [tilespmem:s30+$0x2B80]  }
.LBB2_27:
0x2b6: {  	p0 =	sne.s32 s4, $0x1C0  }
0x2b7: {  	v21 =	vmul.f32 $2.480158760e-05, v10;
	v18 =	vadd.f32 $-1.984127010e-04, v18;
	v22 =	vld [tilespmem:s29+$0x2980];
	v23 =	vmul.f32 v11, v9;
	v9 =	vmovc v4;
	v4 =	vmovc v2  }
0x2b8: {  	v14 =	vsub.f32 v16, v14;
	v24 =	vld [tilespmem:s30+$0x2880];
	v11 =	vmul.f32 v19, v7;
	v19 =	vadd.f32 $1.000000000e+00, v20;
	v7 =	vmovc v10  }
0x2b9: {  	v13 =	vadd.f32 v13, v17;
	v2 =	vld [tilespmem:s30+$0x2900];
	v10 =	vadd.f32 $-1.388888920e-03, v21;
	v16 =	vmul.f32 v18, v7  }
0x2ba: {  	v12 =	vsub.f32 v23, v12;
	v11 =	vadd.f32 $1.000000000e+00, v11;
	v17 =	vmul.f32 v19, v6;
	[tilespmem:s31+$0x3A00] =	vst v14;
	v6 =	vmovc v3  }
0x2bb: {  	v3 =	vmul.f32 $5.000000000e-01, v15;
	v10 =	vmul.f32 v10, v7;
	v14 =	vadd.f32 $8.333333770e-03, v16;
	[tilespmem:s31+$0x3A80] =	vst v13  }
0x2bc: {  	v15 =	vmul.f32 v11, v22;
	v16 =	vmul.f32 v17, v8;
	[tilespmem:s31+$0x3B00] =	vst v12;
	s31 =	smov.u32 s29;
	s29 =	smov.u32 s28;
	s28 =	smov.u32 s30  }
.Ltmp13:
0x2bd: {  	v12 =	vadd.f32 $4.166666790e-02, v10;
	v18 =	vmul.f32 v14, v7;
	v14 =	vmul.f32 v17, v22;
	(pc) =	sbr.rel @p0 .LBB2_27-.Ltmp13, $4  }
0x2be: {  	v13 =	vmul.f32 v17, v9;
	v10 =	vmul.f32 v3, v3;
	v15 =	vadd.f32 v16, v15  }
0x2bf: {  	v19 =	vmul.f32 v12, v7;
	v20 =	vadd.f32 $-1.666666720e-01, v18;
	v12 =	vmul.f32 v17, v5  }
0x2c0: {  	s30 =	sshra.s32 s4, $0x2;
	v16 =	vmul.f32 v11, v8;
	v18 =	vmul.f32 $2.755731880e-06, v10;
	v8 =	vld [tilespmem:s29+$0x2800];
	[tilespmem:s31+$0x3B80] =	vst v15  }
0x2c1: {  	s4 =	sadd.s32 $0x40, s4;
	v17 =	vmul.f32 v11, v5;
	v5 =	vmovc v1;
	v1 =	vmovc v24;
	v15 =	vld [tilespmem:s30+$0x2B80];
	v19 =	vadd.f32 $-5.000000000e-01, v19;
	v20 =	vmul.f32 v20, v7  }
0x2c2: {  	v21 =	vmul.f32 $2.480158760e-05, v10  }
0x2c3: {  	v18 =	vadd.f32 $-1.984127010e-04, v18;
	v22 =	vld [tilespmem:s29+$0x2980]  }
0x2c4: {  	v7 =	vmul.f32 v19, v7;
	v59 =	vadd.f32 $1.000000000e+00, v20;
	v60 =	vadd.f32 $-1.388888920e-03, v21  }
0x2c5: {  	v9 =	vmul.f32 v11, v9;
	v14 =	vsub.f32 v16, v14;
	v61 =	vmul.f32 v18, v10  }
0x2c6: {  	v7 =	vadd.f32 $1.000000000e+00, v7;
	v6 =	vmul.f32 v59, v6;
	v62 =	vmul.f32 v60, v10  }
0x2c7: {  	v13 =	vadd.f32 v13, v17;
	v63 =	vmul.f32 $5.000000000e-01, v15;
	v23 =	vadd.f32 $8.333333770e-03, v61  }
0x2c8: {  	v17 =	vld [tilespmem:s30+$0x2880];
	v24 =	vmul.f32 v7, v22;
	v25 =	vmul.f32 v6, v8;
	v11 =	vadd.f32 $4.166666790e-02, v62  }
0x2c9: {  	v18 =	vld [tilespmem:s30+$0x2900];
	v9 =	vsub.f32 v9, v12;
	[tilespmem:s31+$0x3A00] =	vst v14;
	v26 =	vmul.f32 v23, v10;
	v27 =	vmul.f32 v63, v63  }
0x2ca: {  	[tilespmem:s31+$0x3A80] =	vst v13;
	v14 =	vadd.f32 v25, v24;
	v11 =	vmul.f32 v11, v10  }
0x2cb: {  	[tilespmem:s31+$0x3B00] =	vst v9;
	v28 =	vmul.f32 v6, v22;
	v13 =	vadd.f32 $-1.666666720e-01, v26;
	v30 =	vmul.f32 $2.755731880e-06, v27  }
0x2cc: {  	v29 =	vmul.f32 v6, v4;
	v31 =	vld [tilespmem:s28+$0x2800];
	v6 =	vmul.f32 v6, v5;
	[tilespmem:s29+$0x3B80] =	vst v14;
	v11 =	vadd.f32 $-5.000000000e-01, v11  }
0x2cd: {  	v33 =	vmul.f32 $2.480158760e-05, v27;
	v13 =	vmul.f32 v13, v10;
	v19 =	vadd.f32 $-1.984127010e-04, v30;
	v34 =	vld [tilespmem:s28+$0x2980]  }
0x2ce: {  	v32 =	vmul.f32 v7, v8;
	v36 =	vmul.f32 v11, v10  }
0x2cf: {  	v38 =	vadd.f32 $-1.388888920e-03, v33;
	v37 =	vadd.f32 $1.000000000e+00, v13;
	v39 =	vmul.f32 v19, v27  }
0x2d0: {  	v35 =	vmul.f32 v7, v5;
	v40 =	vmul.f32 v7, v4;
	v42 =	vadd.f32 $1.000000000e+00, v36  }
0x2d1: {  	v43 =	vmul.f32 v38, v27;
	v3 =	vmul.f32 v37, v3;
	v44 =	vadd.f32 $8.333333770e-03, v39  }
0x2d2: {  	v41 =	vsub.f32 v32, v28;
	v5 =	vadd.f32 v29, v35;
	v45 =	vmul.f32 v42, v34  }
0x2d3: {  	v9 =	vadd.f32 $4.166666790e-02, v43;
	v46 =	vmul.f32 v3, v31;
	v10 =	vmul.f32 v44, v27  }
0x2d4: {  	v4 =	vsub.f32 v40, v6;
	[tilespmem:s29+$0x3A00] =	vst v41  }
0x2d5: {  	[tilespmem:s29+$0x3A80] =	vst v5;
	v48 =	vmul.f32 v9, v27;
	v47 =	vadd.f32 v46, v45;
	v49 =	vadd.f32 $-1.666666720e-01, v10  }
0x2d6: {  	[tilespmem:s29+$0x3B00] =	vst v4  }
0x2d7: {  	v50 =	vld [tilespmem:s30+$0x2800];
	v51 =	vadd.f32 $-5.000000000e-01, v48;
	[tilespmem:s28+$0x3B80] =	vst v47;
	v52 =	vmul.f32 v49, v27  }
0x2d8: {  	v53 =	vld [tilespmem:s30+$0x2980]  }
0x2d9: {  	v54 =	vmul.f32 v3, v34;
	v4 =	vmul.f32 v51, v27;
	v5 =	vadd.f32 $1.000000000e+00, v52  }
0x2da: {  	v55 =	vmul.f32 v3, v2;
	v56 =	vmul.f32 v42, v31  }
0x2db: {  	v57 =	vmul.f32 v42, v1;
	v4 =	vadd.f32 $1.000000000e+00, v4;
	v5 =	vmul.f32 v5, v63  }
0x2dc: {  	v1 =	vmul.f32 v3, v1;
	v2 =	vmul.f32 v42, v2;
	v3 =	vsub.f32 v56, v54  }
0x2dd: {  	v58 =	vadd.f32 v55, v57;
	v59 =	vmul.f32 v4, v53;
	v60 =	vmul.f32 v5, v50  }
0x2de: {  	v1 =	vsub.f32 v2, v1;
	[tilespmem:s28+$0x3A00] =	vst v3;
	v3 =	vmul.f32 v4, v50;
	v2 =	vmul.f32 v5, v53  }
0x2df: {  	[tilespmem:s28+$0x3A80] =	vst v58;
	v63 =	vmul.f32 v4, v17;
	v61 =	vmul.f32 v5, v18;
	v62 =	vadd.f32 v60, v59  }
0x2e0: {  	[tilespmem:s28+$0x3B00] =	vst v1;
	v1 =	vmul.f32 v5, v17;
	v4 =	vmul.f32 v4, v18;
	v2 =	vsub.f32 v3, v2  }
0x2e1: {  	v3 =	vadd.f32 v61, v63;
	[tilespmem:s30+$0x3B80] =	vst v62  }
0x2e2: {  	v1 =	vsub.f32 v4, v1;
	[tilespmem:s30+$0x3A00] =	vst v2  }
0x2e3: {  	[tilespmem:s30+$0x3A80] =	vst v3  }
0x2e4: {  	[tilespmem:s30+$0x3B00] =	vst v1  }
0x2e5: {  	[hbm4b:s10+s6] =	stream.linear.scatter [tilespmem:s23], [sflag:$0x2], $0x800, $0x38;
	[tilespmem:$0x3C00] =	vst v63  }
0x2e6: {  	s26 =	sadd.s32 $0x1, s26  }
0x2e7: {  	[hbm4b:s11+s6] =	stream.linear.scatter [tilespmem:s24], [sflag:$0x2], $0x800, $0x38;
	[tilespmem:$0x3C00] =	vst v63  }
0x2e8: {  	p0 =	sne.s32 s26, s12;
	_ =	swait.ge [sflag:s25], $0x800  }
.Ltmp14:
0x2e9: {  	[sflag:s25] =	ssyncset.done $0x0;
	(pc) =	sbr.rel @p0 .LBB2_1-.Ltmp14, $4  }
.Ltmp15:
0x2ea: {  	[sflag:s25] =	ssyncadd.s32 $0xFFFFF800;
	(pc) =	sbr.rel @!p0 .LBB2_29-.Ltmp15, $4  }
0x2eb: {  	_ =	swait.ge [sflag:s25], $0x800  }
0x2ec: {  	[sflag:s25] =	ssyncset.done $0x0  }
0x2ed: {  	[sflag:s25] =	ssyncadd.s32 $0xFFFFF800  }
0x2ee: {  	_ = 	snop  }
.LBB2_11:
.Ltmp16:
0x2ef: {  	(pc) =	sbr.rel .LBB2_18-.Ltmp16, $2  }
0x2f0: {  	_ =	sdelay $0x2  }
0x2f1: {  	s29 =	simm.s32 $0x0;
	p1 =	por $0x0, $0x0  }
.LBB2_5:
.Ltmp17:
0x2f2: {  	(pc) =	sbr.rel .LBB2_10-.Ltmp17, $2  }
0x2f3: {  	_ =	sdelay $0x2  }
0x2f4: {  	s30 =	simm.s32 $0x10;
	s29 =	simm.s32 $0x0;
	p3 =	por $0x0, $0x0  }
.LBB2_13:
.Ltmp18:
0x2f5: {  	(pc) =	sbr.rel .LBB2_18-.Ltmp18, $2  }
0x2f6: {  	_ =	sdelay $0x2  }
0x2f7: {  	s29 =	simm.s32 $0x10  }
.LBB2_7:
.Ltmp19:
0x2f8: {  	(pc) =	sbr.rel .LBB2_10-.Ltmp19, $2  }
0x2f9: {  	_ =	sdelay $0x2  }
0x2fa: {  	v5 =	vmov v6;
	s31 =	simm.s32 $0x0  }
.LBB2_15:
.Ltmp20:
0x2fb: {  	(pc) =	sbr.rel .LBB2_18-.Ltmp20, $2  }
0x2fc: {  	_ =	sdelay $0x2  }
0x2fd: {  	v5 =	vmov v6;
	s4 =	simm.s32 $0x0;
	s28 =	simm.s32 $0x10  }
.LBB2_29:
0x2fe: {  	_ =	sfence.sel $0x180000  }
0x2ff: {  	[bflag:$0x0] =	sbarrier.arrive $0xFFFF  }
0x300: {  	_ =	strace $0x90000047  }
0x301: {  	[bflag:$0x2] =	sbarrier.arrive $0xFFFF  }
0x302: {  	p0 =	sne.s32 s5, $0x0;
	s0 =	rddreg [dreg:$0x9]  }
0x303: {  	s0 =	sadd.s32 @!p0 $0x100000, s0  }
0x304: {  	[sflag:s0] =	ssyncadd.tile.s32 @!p0 $0x1;
	_ =	shalt  }
.Lfunc_end2:
_tile_overlayer_lowered:
.L_overlay_start_2:
0x305: {  	(tag) =	ssettag $0x2  }
0x306: {  	s0 =	rddreg [dreg:$0x0];
	s2 =	stileid.u32  }
0x307: {  	s1 =	rddreg [dreg:$0x1];
	p0 =	sne.s32 s2, $0x0  }
0x308: {  	s3 =	rddreg [dreg:$0x2];
	[bflag:$0x3] =	sbarrier.arrive $0xFFFF;
	s2 =	simm.s32 @!p0 $0x1C03  }
0x309: {  	[timem:s3], [sflag:s2] =	dma.local @!p0 [hbm:s0], s1  }
0x30a: {  	s0 =	simm.s32 @!p0 $0x3  }
0x30b: {  	_ =	swait.ge @!p0 [sflag:s0], s1  }
0x30c: {  	s1 =	ssub.s32 @!p0 $0x0, s1;
	[sflag:s0] =	ssyncset.done @!p0 $0x0  }
0x30d: {  	[sflag:s0] =	ssyncadd.s32 @!p0 s1  }
0x30e: {  	[bflag:$0x3] =	sbarrier.arrive $0xFFFF  }
0x30f: {  	_ =	shalt  }

</sc_bundles>
